<compile_context>
chip_gen: v7x
topology: tpu7x:2x2x1
jax: 0.10.2.dev20260603
libtpu: 0.0.44.dev20260713+nightly
codegen_flags: <defaults>
</compile_context>

<pallas_src>
import functools

import jax
import jax.numpy as jnp
from jax import lax
from jax.experimental import pallas as pl
from jax.experimental.pallas import tpu as pltpu
from jax.experimental.pallas import tpu_sc as plsc

_B, _H, _D = 16384, 20, 64
_N = _B * _H
_NC, _NS = 2, 16
_NW = _NC * _NS
_PER_W = _N // _NW
_CHUNK = 128
_NCHUNK = _PER_W // _CHUNK
_NBUF = 8
_LOOK = 4


def _body(idx_hbm, table_hbm, out_hbm, idx_v, rows_v, gsem, ssem):
    wid = lax.axis_index("s") * _NC + lax.axis_index("c")
    pltpu.sync_copy(idx_hbm.at[wid], idx_v)
    base = wid * _PER_W

    def start_gather(j, buf):
        pltpu.async_copy(table_hbm.at[idx_v.at[j]], rows_v.at[buf], gsem)

    def wait_gather(j, buf):
        pltpu.make_async_copy(
            table_hbm.at[idx_v.at[j]], rows_v.at[buf], gsem).wait()

    def start_store(j, buf):
        pltpu.async_copy(
            rows_v.at[buf], out_hbm.at[pl.ds(base + j * _CHUNK, _CHUNK)], ssem)

    def wait_store(j, buf):
        pltpu.make_async_copy(
            rows_v.at[buf], out_hbm.at[pl.ds(base + j * _CHUNK, _CHUNK)],
            ssem).wait()

    for j in range(_LOOK):
        start_gather(j, j)

    for j in range(_NBUF - _LOOK):
        wait_gather(j, j)
        start_store(j, j)
        start_gather(j + _LOOK, j + _LOOK)

    def step(j, carry):
        buf = lax.rem(j, _NBUF)
        wait_gather(j, buf)
        start_store(j, buf)
        nxt = j + _LOOK
        nbuf = lax.rem(nxt, _NBUF)
        wait_store(nxt - _NBUF, nbuf)
        start_gather(nxt, nbuf)
        return carry

    lax.fori_loop(_NBUF - _LOOK, _NCHUNK - _LOOK, step, 0)

    for j in range(_NCHUNK - _LOOK, _NCHUNK):
        buf = j % _NBUF
        wait_gather(j, buf)
        start_store(j, buf)
    for j in range(_NCHUNK - _NBUF, _NCHUNK):
        wait_store(j, j % _NBUF)


_gather = functools.partial(
    pl.kernel,
    out_type=jax.ShapeDtypeStruct((_N, _D), jnp.float32),
    mesh=plsc.VectorSubcoreMesh(core_axis_name="c", subcore_axis_name="s"),
    compiler_params=pltpu.CompilerParams(use_tc_tiling_on_sc=False),
    scratch_types=[
        pltpu.VMEM((_NCHUNK, _CHUNK), jnp.int32),
        pltpu.VMEM((_NBUF, _CHUNK, _D), jnp.float32),
        pltpu.SemaphoreType.DMA,
        pltpu.SemaphoreType.DMA,
    ],
)(_body)


def kernel(indices, weight):
    flat = indices.astype(jnp.int32).reshape(_NW, _NCHUNK, _CHUNK)
    out = _gather(flat, weight)
    return out.reshape(_B, _H, _D)

# --- scband reference (transcript-rebuilt; emitter-appended) ---
"""Pipeline reference for scband-parallel-embedding-12111807775348 (READ-ONLY COPY).

The authoritative reference and input builder live on the scoring server;
editing this copy changes nothing except your own understanding.
"""

import jax, jax.numpy as jnp
import numpy as np

NUM_EMBEDDINGS = 1000000
EMBEDDING_DIM = 64
BATCH = 16384
HIST = 20


def setup_inputs(seed: int = 0) -> dict:
    key = jax.random.key(seed)
    k1, k2 = jax.random.split(key)
    indices = jax.random.randint(k1, (BATCH, HIST), 0, NUM_EMBEDDINGS)
    weight = jax.random.normal(k2, (NUM_EMBEDDINGS, EMBEDDING_DIM), dtype=jnp.float32)
    return {"indices": indices, "weight": weight}


def reference(indices, weight):
    # ParallelEmbedding forward with tensor_model_parallel_size == 1 (vocab-sharded
    # path degenerates: start_index=0, end_index=num_embeddings, mask is all-false,
    # all-reduce is identity). Equivalent to a plain embedding lookup.
    start_index = 0
    end_index = NUM_EMBEDDINGS
    input_mask = (indices < start_index) | (indices >= end_index)
    masked_input = jnp.where(input_mask, 0, indices - start_index)
    output = jnp.take(weight, masked_input, axis=0)
    output = jnp.where(input_mask[..., None], 0.0, output)
    return output

if __name__ == "__main__":
    import jax
    _d = setup_inputs()
    print(jax.jit(kernel)(*tuple(_d.values())))

</pallas_src>

<mosaic_0001>
#map = affine_map<(d0, d1) -> (0, 0, 0)>
#map1 = affine_map<(d0, d1) -> (0, 0)>
module attributes {stable_mosaic.version = 14 : i64} {
  func.func @_body(%arg0: i32, %arg1: i32, %arg2: memref<32x80x128xi32, #tpu.memory_space<hbm>>, %arg3: memref<1000000x64xf32, #tpu.memory_space<hbm>>, %arg4: memref<327680x64xf32, #tpu.memory_space<hbm>>, %arg5: memref<80x128xi32, #tpu.memory_space<vmem>>, %arg6: memref<8x128x64xf32, #tpu.memory_space<vmem>>, %arg7: memref<!tpu.dma_semaphore, #tpu.memory_space<semaphore_mem>>, %arg8: memref<!tpu.dma_semaphore, #tpu.memory_space<semaphore_mem>>) attributes {dimension_semantics = [#tpu.dimension_semantics<core_parallel>, #tpu.dimension_semantics<subcore_parallel>], iteration_bounds = array<i64: 2, 16>, scalar_prefetch = 0 : i64, scratch_operands = 4 : i64, tpu.core_type = #tpu.core_type<sc_vector_subcore>, window_params = [{transform_indices = #map}, {transform_indices = #map1}, {transform_indices = #map1}]} {
    %mul3A = arith.constant 2 : i32
    %mul3A_0 = arith.muli %arg1, %mul3A : i32
    %add3A = arith.addi %mul3A_0, %arg0 : i32
    "tpu.region"() ({
      %run_scoped3A = tpu.sem_alloc : memref<!tpu.dma_semaphore, #tpu.memory_space<semaphore_mem>>
      %dma_start3A_438 = arith.constant 0 : i32
      %dma_start3A_439 = arith.constant 0 : i32
      %dma_start3A_440 = tpu.memref_slice %arg2[%add3A, %dma_start3A_438, %dma_start3A_439] : memref<32x80x128xi32, #tpu.memory_space<hbm>> -> memref<1x80x128xi32, #tpu.memory_space<hbm>>
      %dma_start3A_441 = tpu.memref_squeeze %dma_start3A_440 : memref<1x80x128xi32, #tpu.memory_space<hbm>> -> memref<80x128xi32, #tpu.memory_space<hbm>>
      %dma_start3A_442 = arith.constant 0 : i32
      %dma_start3A_443 = arith.constant 0 : i32
      %dma_start3A_444 = tpu.memref_slice %arg2[%add3A, %dma_start3A_442, %dma_start3A_443] : memref<32x80x128xi32, #tpu.memory_space<hbm>> -> memref<1x80x128xi32, #tpu.memory_space<hbm>>
      %dma_start3A_445 = tpu.memref_squeeze %dma_start3A_444 : memref<1x80x128xi32, #tpu.memory_space<hbm>> -> memref<80x128xi32, #tpu.memory_space<hbm>>
      tpu.enqueue_dma source(%dma_start3A_445 : memref<80x128xi32, #tpu.memory_space<hbm>>) target(%arg5 : memref<80x128xi32, #tpu.memory_space<vmem>>) target_semaphore(%run_scoped3A : memref<!tpu.dma_semaphore, #tpu.memory_space<semaphore_mem>>)
      %dma_wait3A_446 = arith.constant 0 : i32
      %dma_wait3A_447 = arith.constant 0 : i32
      %dma_wait3A_448 = tpu.memref_slice %arg2[%add3A, %dma_wait3A_446, %dma_wait3A_447] : memref<32x80x128xi32, #tpu.memory_space<hbm>> -> memref<1x80x128xi32, #tpu.memory_space<hbm>>
      %dma_wait3A_449 = tpu.memref_squeeze %dma_wait3A_448 : memref<1x80x128xi32, #tpu.memory_space<hbm>> -> memref<80x128xi32, #tpu.memory_space<hbm>>
      %dma_wait3A_450 = arith.constant 0 : i32
      %dma_wait3A_451 = arith.constant 0 : i32
      %dma_wait3A_452 = tpu.memref_slice %arg2[%add3A, %dma_wait3A_450, %dma_wait3A_451] : memref<32x80x128xi32, #tpu.memory_space<hbm>> -> memref<1x80x128xi32, #tpu.memory_space<hbm>>
      %dma_wait3A_453 = tpu.memref_squeeze %dma_wait3A_452 : memref<1x80x128xi32, #tpu.memory_space<hbm>> -> memref<80x128xi32, #tpu.memory_space<hbm>>
      tpu.wait_dma2 semaphore(%run_scoped3A : memref<!tpu.dma_semaphore, #tpu.memory_space<semaphore_mem>>) src(%dma_wait3A_453 : memref<80x128xi32, #tpu.memory_space<hbm>>) dst(%arg5 : memref<80x128xi32, #tpu.memory_space<vmem>>)
      tpu.yield
    }) : () -> ()
    %mul3A_1 = arith.constant 10240 : i32
    %mul3A_2 = arith.muli %add3A, %mul3A_1 : i32
    %dma_start3A = arith.constant 0 : i32
    %dma_start3A_3 = arith.constant 0 : i32
    %dma_start3A_4 = arith.constant 0 : i32
    %dma_start3A_5 = arith.constant 0 : i32
    %dma_start3A_6 = tpu.memref_slice %arg6[%dma_start3A_3, %dma_start3A_4, %dma_start3A_5] : memref<8x128x64xf32, #tpu.memory_space<vmem>> -> memref<1x128x64xf32, #tpu.memory_space<vmem>>
    %dma_start3A_7 = tpu.memref_squeeze %dma_start3A_6 : memref<1x128x64xf32, #tpu.memory_space<vmem>> -> memref<128x64xf32, #tpu.memory_space<vmem>>
    %dma_start3A_8 = arith.constant 0 : i32
    %dma_start3A_9 = tpu.memref_slice %arg5[%dma_start3A, %dma_start3A_8] : memref<80x128xi32, #tpu.memory_space<vmem>> -> memref<1x128xi32, #tpu.memory_space<vmem>>
    %dma_start3A_10 = tpu.memref_squeeze %dma_start3A_9 : memref<1x128xi32, #tpu.memory_space<vmem>> -> memref<128xi32, #tpu.memory_space<vmem>>
    %dma_start3A_11 = arith.constant 0 : i32
    %dma_start3A_12 = arith.constant 0 : i32
    %dma_start3A_13 = tpu.memref_slice %arg3[%dma_start3A_11, %dma_start3A_12] : memref<1000000x64xf32, #tpu.memory_space<hbm>> -> memref<1000000x64xf32, #tpu.memory_space<hbm>>
    tpu.enqueue_indirect_dma source(%dma_start3A_13 : memref<1000000x64xf32, #tpu.memory_space<hbm>>) target(%dma_start3A_7 : memref<128x64xf32, #tpu.memory_space<vmem>>) offsets(%dma_start3A_10 : memref<128xi32, #tpu.memory_space<vmem>>) semaphore(%arg7 : memref<!tpu.dma_semaphore, #tpu.memory_space<semaphore_mem>>)
    %dma_start3A_14 = arith.constant 1 : i32
    %dma_start3A_15 = arith.constant 1 : i32
    %dma_start3A_16 = arith.constant 0 : i32
    %dma_start3A_17 = arith.constant 0 : i32
    %dma_start3A_18 = tpu.memref_slice %arg6[%dma_start3A_15, %dma_start3A_16, %dma_start3A_17] : memref<8x128x64xf32, #tpu.memory_space<vmem>> -> memref<1x128x64xf32, #tpu.memory_space<vmem>>
    %dma_start3A_19 = tpu.memref_squeeze %dma_start3A_18 : memref<1x128x64xf32, #tpu.memory_space<vmem>> -> memref<128x64xf32, #tpu.memory_space<vmem>>
    %dma_start3A_20 = arith.constant 0 : i32
    %dma_start3A_21 = tpu.memref_slice %arg5[%dma_start3A_14, %dma_start3A_20] : memref<80x128xi32, #tpu.memory_space<vmem>> -> memref<1x128xi32, #tpu.memory_space<vmem>>
    %dma_start3A_22 = tpu.memref_squeeze %dma_start3A_21 : memref<1x128xi32, #tpu.memory_space<vmem>> -> memref<128xi32, #tpu.memory_space<vmem>>
    %dma_start3A_23 = arith.constant 0 : i32
    %dma_start3A_24 = arith.constant 0 : i32
    %dma_start3A_25 = tpu.memref_slice %arg3[%dma_start3A_23, %dma_start3A_24] : memref<1000000x64xf32, #tpu.memory_space<hbm>> -> memref<1000000x64xf32, #tpu.memory_space<hbm>>
    tpu.enqueue_indirect_dma source(%dma_start3A_25 : memref<1000000x64xf32, #tpu.memory_space<hbm>>) target(%dma_start3A_19 : memref<128x64xf32, #tpu.memory_space<vmem>>) offsets(%dma_start3A_22 : memref<128xi32, #tpu.memory_space<vmem>>) semaphore(%arg7 : memref<!tpu.dma_semaphore, #tpu.memory_space<semaphore_mem>>)
    %dma_start3A_26 = arith.constant 2 : i32
    %dma_start3A_27 = arith.constant 2 : i32
    %dma_start3A_28 = arith.constant 0 : i32
    %dma_start3A_29 = arith.constant 0 : i32
    %dma_start3A_30 = tpu.memref_slice %arg6[%dma_start3A_27, %dma_start3A_28, %dma_start3A_29] : memref<8x128x64xf32, #tpu.memory_space<vmem>> -> memref<1x128x64xf32, #tpu.memory_space<vmem>>
    %dma_start3A_31 = tpu.memref_squeeze %dma_start3A_30 : memref<1x128x64xf32, #tpu.memory_space<vmem>> -> memref<128x64xf32, #tpu.memory_space<vmem>>
    %dma_start3A_32 = arith.constant 0 : i32
    %dma_start3A_33 = tpu.memref_slice %arg5[%dma_start3A_26, %dma_start3A_32] : memref<80x128xi32, #tpu.memory_space<vmem>> -> memref<1x128xi32, #tpu.memory_space<vmem>>
    %dma_start3A_34 = tpu.memref_squeeze %dma_start3A_33 : memref<1x128xi32, #tpu.memory_space<vmem>> -> memref<128xi32, #tpu.memory_space<vmem>>
    %dma_start3A_35 = arith.constant 0 : i32
    %dma_start3A_36 = arith.constant 0 : i32
    %dma_start3A_37 = tpu.memref_slice %arg3[%dma_start3A_35, %dma_start3A_36] : memref<1000000x64xf32, #tpu.memory_space<hbm>> -> memref<1000000x64xf32, #tpu.memory_space<hbm>>
    tpu.enqueue_indirect_dma source(%dma_start3A_37 : memref<1000000x64xf32, #tpu.memory_space<hbm>>) target(%dma_start3A_31 : memref<128x64xf32, #tpu.memory_space<vmem>>) offsets(%dma_start3A_34 : memref<128xi32, #tpu.memory_space<vmem>>) semaphore(%arg7 : memref<!tpu.dma_semaphore, #tpu.memory_space<semaphore_mem>>)
    %dma_start3A_38 = arith.constant 3 : i32
    %dma_start3A_39 = arith.constant 3 : i32
    %dma_start3A_40 = arith.constant 0 : i32
    %dma_start3A_41 = arith.constant 0 : i32
    %dma_start3A_42 = tpu.memref_slice %arg6[%dma_start3A_39, %dma_start3A_40, %dma_start3A_41] : memref<8x128x64xf32, #tpu.memory_space<vmem>> -> memref<1x128x64xf32, #tpu.memory_space<vmem>>
    %dma_start3A_43 = tpu.memref_squeeze %dma_start3A_42 : memref<1x128x64xf32, #tpu.memory_space<vmem>> -> memref<128x64xf32, #tpu.memory_space<vmem>>
    %dma_start3A_44 = arith.constant 0 : i32
    %dma_start3A_45 = tpu.memref_slice %arg5[%dma_start3A_38, %dma_start3A_44] : memref<80x128xi32, #tpu.memory_space<vmem>> -> memref<1x128xi32, #tpu.memory_space<vmem>>
    %dma_start3A_46 = tpu.memref_squeeze %dma_start3A_45 : memref<1x128xi32, #tpu.memory_space<vmem>> -> memref<128xi32, #tpu.memory_space<vmem>>
    %dma_start3A_47 = arith.constant 0 : i32
    %dma_start3A_48 = arith.constant 0 : i32
    %dma_start3A_49 = tpu.memref_slice %arg3[%dma_start3A_47, %dma_start3A_48] : memref<1000000x64xf32, #tpu.memory_space<hbm>> -> memref<1000000x64xf32, #tpu.memory_space<hbm>>
    tpu.enqueue_indirect_dma source(%dma_start3A_49 : memref<1000000x64xf32, #tpu.memory_space<hbm>>) target(%dma_start3A_43 : memref<128x64xf32, #tpu.memory_space<vmem>>) offsets(%dma_start3A_46 : memref<128xi32, #tpu.memory_space<vmem>>) semaphore(%arg7 : memref<!tpu.dma_semaphore, #tpu.memory_space<semaphore_mem>>)
    %dma_wait3A = arith.constant 0 : i32
    %dma_wait3A_50 = arith.constant 0 : i32
    %dma_wait3A_51 = arith.constant 0 : i32
    %dma_wait3A_52 = arith.constant 0 : i32
    %dma_wait3A_53 = tpu.memref_slice %arg6[%dma_wait3A_50, %dma_wait3A_51, %dma_wait3A_52] : memref<8x128x64xf32, #tpu.memory_space<vmem>> -> memref<1x128x64xf32, #tpu.memory_space<vmem>>
    %dma_wait3A_54 = tpu.memref_squeeze %dma_wait3A_53 : memref<1x128x64xf32, #tpu.memory_space<vmem>> -> memref<128x64xf32, #tpu.memory_space<vmem>>
    %dma_wait3A_55 = arith.constant 0 : i32
    %dma_wait3A_56 = tpu.memref_slice %arg5[%dma_wait3A, %dma_wait3A_55] : memref<80x128xi32, #tpu.memory_space<vmem>> -> memref<1x128xi32, #tpu.memory_space<vmem>>
    %dma_wait3A_57 = tpu.memref_squeeze %dma_wait3A_56 : memref<1x128xi32, #tpu.memory_space<vmem>> -> memref<128xi32, #tpu.memory_space<vmem>>
    %dma_wait3A_58 = arith.constant 0 : i32
    %dma_wait3A_59 = arith.constant 0 : i32
    %dma_wait3A_60 = tpu.memref_slice %arg3[%dma_wait3A_58, %dma_wait3A_59] : memref<1000000x64xf32, #tpu.memory_space<hbm>> -> memref<1000000x64xf32, #tpu.memory_space<hbm>>
    tpu.wait_indirect_dma semaphore(%arg7 : memref<!tpu.dma_semaphore, #tpu.memory_space<semaphore_mem>>) src(%dma_wait3A_60 : memref<1000000x64xf32, #tpu.memory_space<hbm>>) dst(%dma_wait3A_54 : memref<128x64xf32, #tpu.memory_space<vmem>>)
    %add3A_61 = arith.constant 0 : i32
    %add3A_62 = arith.addi %mul3A_2, %add3A_61 : i32
    %dma_start3A_63 = arith.constant 0 : i32
    %dma_start3A_64 = arith.constant 0 : i32
    %dma_start3A_65 = arith.constant 0 : i32
    %dma_start3A_66 = tpu.memref_slice %arg6[%dma_start3A_63, %dma_start3A_64, %dma_start3A_65] : memref<8x128x64xf32, #tpu.memory_space<vmem>> -> memref<1x128x64xf32, #tpu.memory_space<vmem>>
    %dma_start3A_67 = tpu.memref_squeeze %dma_start3A_66 : memref<1x128x64xf32, #tpu.memory_space<vmem>> -> memref<128x64xf32, #tpu.memory_space<vmem>>
    %dma_start3A_68 = arith.constant 0 : i32
    %dma_start3A_69 = tpu.memref_slice %arg4[%add3A_62, %dma_start3A_68] : memref<327680x64xf32, #tpu.memory_space<hbm>> -> memref<128x64xf32, #tpu.memory_space<hbm>>
    %dma_start3A_70 = arith.constant 0 : i32
    %dma_start3A_71 = tpu.memref_slice %arg4[%add3A_62, %dma_start3A_70] : memref<327680x64xf32, #tpu.memory_space<hbm>> -> memref<128x64xf32, #tpu.memory_space<hbm>>
    %dma_start3A_72 = arith.constant 0 : i32
    %dma_start3A_73 = arith.constant 0 : i32
    %dma_start3A_74 = tpu.memref_slice %arg6[%dma_start3A_63, %dma_start3A_72, %dma_start3A_73] : memref<8x128x64xf32, #tpu.memory_space<vmem>> -> memref<1x128x64xf32, #tpu.memory_space<vmem>>
    %dma_start3A_75 = tpu.memref_squeeze %dma_start3A_74 : memref<1x128x64xf32, #tpu.memory_space<vmem>> -> memref<128x64xf32, #tpu.memory_space<vmem>>
    tpu.enqueue_dma source(%dma_start3A_75 : memref<128x64xf32, #tpu.memory_space<vmem>>) target(%dma_start3A_71 : memref<128x64xf32, #tpu.memory_space<hbm>>) target_semaphore(%arg8 : memref<!tpu.dma_semaphore, #tpu.memory_space<semaphore_mem>>)
    %dma_start3A_76 = arith.constant 4 : i32
    %dma_start3A_77 = arith.constant 4 : i32
    %dma_start3A_78 = arith.constant 0 : i32
    %dma_start3A_79 = arith.constant 0 : i32
    %dma_start3A_80 = tpu.memref_slice %arg6[%dma_start3A_77, %dma_start3A_78, %dma_start3A_79] : memref<8x128x64xf32, #tpu.memory_space<vmem>> -> memref<1x128x64xf32, #tpu.memory_space<vmem>>
    %dma_start3A_81 = tpu.memref_squeeze %dma_start3A_80 : memref<1x128x64xf32, #tpu.memory_space<vmem>> -> memref<128x64xf32, #tpu.memory_space<vmem>>
    %dma_start3A_82 = arith.constant 0 : i32
    %dma_start3A_83 = tpu.memref_slice %arg5[%dma_start3A_76, %dma_start3A_82] : memref<80x128xi32, #tpu.memory_space<vmem>> -> memref<1x128xi32, #tpu.memory_space<vmem>>
    %dma_start3A_84 = tpu.memref_squeeze %dma_start3A_83 : memref<1x128xi32, #tpu.memory_space<vmem>> -> memref<128xi32, #tpu.memory_space<vmem>>
    %dma_start3A_85 = arith.constant 0 : i32
    %dma_start3A_86 = arith.constant 0 : i32
    %dma_start3A_87 = tpu.memref_slice %arg3[%dma_start3A_85, %dma_start3A_86] : memref<1000000x64xf32, #tpu.memory_space<hbm>> -> memref<1000000x64xf32, #tpu.memory_space<hbm>>
    tpu.enqueue_indirect_dma source(%dma_start3A_87 : memref<1000000x64xf32, #tpu.memory_space<hbm>>) target(%dma_start3A_81 : memref<128x64xf32, #tpu.memory_space<vmem>>) offsets(%dma_start3A_84 : memref<128xi32, #tpu.memory_space<vmem>>) semaphore(%arg7 : memref<!tpu.dma_semaphore, #tpu.memory_space<semaphore_mem>>)
    %dma_wait3A_88 = arith.constant 1 : i32
    %dma_wait3A_89 = arith.constant 1 : i32
    %dma_wait3A_90 = arith.constant 0 : i32
    %dma_wait3A_91 = arith.constant 0 : i32
    %dma_wait3A_92 = tpu.memref_slice %arg6[%dma_wait3A_89, %dma_wait3A_90, %dma_wait3A_91] : memref<8x128x64xf32, #tpu.memory_space<vmem>> -> memref<1x128x64xf32, #tpu.memory_space<vmem>>
    %dma_wait3A_93 = tpu.memref_squeeze %dma_wait3A_92 : memref<1x128x64xf32, #tpu.memory_space<vmem>> -> memref<128x64xf32, #tpu.memory_space<vmem>>
    %dma_wait3A_94 = arith.constant 0 : i32
    %dma_wait3A_95 = tpu.memref_slice %arg5[%dma_wait3A_88, %dma_wait3A_94] : memref<80x128xi32, #tpu.memory_space<vmem>> -> memref<1x128xi32, #tpu.memory_space<vmem>>
    %dma_wait3A_96 = tpu.memref_squeeze %dma_wait3A_95 : memref<1x128xi32, #tpu.memory_space<vmem>> -> memref<128xi32, #tpu.memory_space<vmem>>
    %dma_wait3A_97 = arith.constant 0 : i32
    %dma_wait3A_98 = arith.constant 0 : i32
    %dma_wait3A_99 = tpu.memref_slice %arg3[%dma_wait3A_97, %dma_wait3A_98] : memref<1000000x64xf32, #tpu.memory_space<hbm>> -> memref<1000000x64xf32, #tpu.memory_space<hbm>>
    tpu.wait_indirect_dma semaphore(%arg7 : memref<!tpu.dma_semaphore, #tpu.memory_space<semaphore_mem>>) src(%dma_wait3A_99 : memref<1000000x64xf32, #tpu.memory_space<hbm>>) dst(%dma_wait3A_93 : memref<128x64xf32, #tpu.memory_space<vmem>>)
    %add3A_100 = arith.constant 128 : i32
    %add3A_101 = arith.addi %mul3A_2, %add3A_100 : i32
    %dma_start3A_102 = arith.constant 1 : i32
    %dma_start3A_103 = arith.constant 0 : i32
    %dma_start3A_104 = arith.constant 0 : i32
    %dma_start3A_105 = tpu.memref_slice %arg6[%dma_start3A_102, %dma_start3A_103, %dma_start3A_104] : memref<8x128x64xf32, #tpu.memory_space<vmem>> -> memref<1x128x64xf32, #tpu.memory_space<vmem>>
    %dma_start3A_106 = tpu.memref_squeeze %dma_start3A_105 : memref<1x128x64xf32, #tpu.memory_space<vmem>> -> memref<128x64xf32, #tpu.memory_space<vmem>>
    %dma_start3A_107 = arith.constant 0 : i32
    %dma_start3A_108 = tpu.memref_slice %arg4[%add3A_101, %dma_start3A_107] : memref<327680x64xf32, #tpu.memory_space<hbm>> -> memref<128x64xf32, #tpu.memory_space<hbm>>
    %dma_start3A_109 = arith.constant 0 : i32
    %dma_start3A_110 = tpu.memref_slice %arg4[%add3A_101, %dma_start3A_109] : memref<327680x64xf32, #tpu.memory_space<hbm>> -> memref<128x64xf32, #tpu.memory_space<hbm>>
    %dma_start3A_111 = arith.constant 0 : i32
    %dma_start3A_112 = arith.constant 0 : i32
    %dma_start3A_113 = tpu.memref_slice %arg6[%dma_start3A_102, %dma_start3A_111, %dma_start3A_112] : memref<8x128x64xf32, #tpu.memory_space<vmem>> -> memref<1x128x64xf32, #tpu.memory_space<vmem>>
    %dma_start3A_114 = tpu.memref_squeeze %dma_start3A_113 : memref<1x128x64xf32, #tpu.memory_space<vmem>> -> memref<128x64xf32, #tpu.memory_space<vmem>>
    tpu.enqueue_dma source(%dma_start3A_114 : memref<128x64xf32, #tpu.memory_space<vmem>>) target(%dma_start3A_110 : memref<128x64xf32, #tpu.memory_space<hbm>>) target_semaphore(%arg8 : memref<!tpu.dma_semaphore, #tpu.memory_space<semaphore_mem>>)
    %dma_start3A_115 = arith.constant 5 : i32
    %dma_start3A_116 = arith.constant 5 : i32
    %dma_start3A_117 = arith.constant 0 : i32
    %dma_start3A_118 = arith.constant 0 : i32
    %dma_start3A_119 = tpu.memref_slice %arg6[%dma_start3A_116, %dma_start3A_117, %dma_start3A_118] : memref<8x128x64xf32, #tpu.memory_space<vmem>> -> memref<1x128x64xf32, #tpu.memory_space<vmem>>
    %dma_start3A_120 = tpu.memref_squeeze %dma_start3A_119 : memref<1x128x64xf32, #tpu.memory_space<vmem>> -> memref<128x64xf32, #tpu.memory_space<vmem>>
    %dma_start3A_121 = arith.constant 0 : i32
    %dma_start3A_122 = tpu.memref_slice %arg5[%dma_start3A_115, %dma_start3A_121] : memref<80x128xi32, #tpu.memory_space<vmem>> -> memref<1x128xi32, #tpu.memory_space<vmem>>
    %dma_start3A_123 = tpu.memref_squeeze %dma_start3A_122 : memref<1x128xi32, #tpu.memory_space<vmem>> -> memref<128xi32, #tpu.memory_space<vmem>>
    %dma_start3A_124 = arith.constant 0 : i32
    %dma_start3A_125 = arith.constant 0 : i32
    %dma_start3A_126 = tpu.memref_slice %arg3[%dma_start3A_124, %dma_start3A_125] : memref<1000000x64xf32, #tpu.memory_space<hbm>> -> memref<1000000x64xf32, #tpu.memory_space<hbm>>
    tpu.enqueue_indirect_dma source(%dma_start3A_126 : memref<1000000x64xf32, #tpu.memory_space<hbm>>) target(%dma_start3A_120 : memref<128x64xf32, #tpu.memory_space<vmem>>) offsets(%dma_start3A_123 : memref<128xi32, #tpu.memory_space<vmem>>) semaphore(%arg7 : memref<!tpu.dma_semaphore, #tpu.memory_space<semaphore_mem>>)
    %dma_wait3A_127 = arith.constant 2 : i32
    %dma_wait3A_128 = arith.constant 2 : i32
    %dma_wait3A_129 = arith.constant 0 : i32
    %dma_wait3A_130 = arith.constant 0 : i32
    %dma_wait3A_131 = tpu.memref_slice %arg6[%dma_wait3A_128, %dma_wait3A_129, %dma_wait3A_130] : memref<8x128x64xf32, #tpu.memory_space<vmem>> -> memref<1x128x64xf32, #tpu.memory_space<vmem>>
    %dma_wait3A_132 = tpu.memref_squeeze %dma_wait3A_131 : memref<1x128x64xf32, #tpu.memory_space<vmem>> -> memref<128x64xf32, #tpu.memory_space<vmem>>
    %dma_wait3A_133 = arith.constant 0 : i32
    %dma_wait3A_134 = tpu.memref_slice %arg5[%dma_wait3A_127, %dma_wait3A_133] : memref<80x128xi32, #tpu.memory_space<vmem>> -> memref<1x128xi32, #tpu.memory_space<vmem>>
    %dma_wait3A_135 = tpu.memref_squeeze %dma_wait3A_134 : memref<1x128xi32, #tpu.memory_space<vmem>> -> memref<128xi32, #tpu.memory_space<vmem>>
    %dma_wait3A_136 = arith.constant 0 : i32
    %dma_wait3A_137 = arith.constant 0 : i32
    %dma_wait3A_138 = tpu.memref_slice %arg3[%dma_wait3A_136, %dma_wait3A_137] : memref<1000000x64xf32, #tpu.memory_space<hbm>> -> memref<1000000x64xf32, #tpu.memory_space<hbm>>
    tpu.wait_indirect_dma semaphore(%arg7 : memref<!tpu.dma_semaphore, #tpu.memory_space<semaphore_mem>>) src(%dma_wait3A_138 : memref<1000000x64xf32, #tpu.memory_space<hbm>>) dst(%dma_wait3A_132 : memref<128x64xf32, #tpu.memory_space<vmem>>)
    %add3A_139 = arith.constant 256 : i32
    %add3A_140 = arith.addi %mul3A_2, %add3A_139 : i32
    %dma_start3A_141 = arith.constant 2 : i32
    %dma_start3A_142 = arith.constant 0 : i32
    %dma_start3A_143 = arith.constant 0 : i32
    %dma_start3A_144 = tpu.memref_slice %arg6[%dma_start3A_141, %dma_start3A_142, %dma_start3A_143] : memref<8x128x64xf32, #tpu.memory_space<vmem>> -> memref<1x128x64xf32, #tpu.memory_space<vmem>>
    %dma_start3A_145 = tpu.memref_squeeze %dma_start3A_144 : memref<1x128x64xf32, #tpu.memory_space<vmem>> -> memref<128x64xf32, #tpu.memory_space<vmem>>
    %dma_start3A_146 = arith.constant 0 : i32
    %dma_start3A_147 = tpu.memref_slice %arg4[%add3A_140, %dma_start3A_146] : memref<327680x64xf32, #tpu.memory_space<hbm>> -> memref<128x64xf32, #tpu.memory_space<hbm>>
    %dma_start3A_148 = arith.constant 0 : i32
    %dma_start3A_149 = tpu.memref_slice %arg4[%add3A_140, %dma_start3A_148] : memref<327680x64xf32, #tpu.memory_space<hbm>> -> memref<128x64xf32, #tpu.memory_space<hbm>>
    %dma_start3A_150 = arith.constant 0 : i32
    %dma_start3A_151 = arith.constant 0 : i32
    %dma_start3A_152 = tpu.memref_slice %arg6[%dma_start3A_141, %dma_start3A_150, %dma_start3A_151] : memref<8x128x64xf32, #tpu.memory_space<vmem>> -> memref<1x128x64xf32, #tpu.memory_space<vmem>>
    %dma_start3A_153 = tpu.memref_squeeze %dma_start3A_152 : memref<1x128x64xf32, #tpu.memory_space<vmem>> -> memref<128x64xf32, #tpu.memory_space<vmem>>
    tpu.enqueue_dma source(%dma_start3A_153 : memref<128x64xf32, #tpu.memory_space<vmem>>) target(%dma_start3A_149 : memref<128x64xf32, #tpu.memory_space<hbm>>) target_semaphore(%arg8 : memref<!tpu.dma_semaphore, #tpu.memory_space<semaphore_mem>>)
    %dma_start3A_154 = arith.constant 6 : i32
    %dma_start3A_155 = arith.constant 6 : i32
    %dma_start3A_156 = arith.constant 0 : i32
    %dma_start3A_157 = arith.constant 0 : i32
    %dma_start3A_158 = tpu.memref_slice %arg6[%dma_start3A_155, %dma_start3A_156, %dma_start3A_157] : memref<8x128x64xf32, #tpu.memory_space<vmem>> -> memref<1x128x64xf32, #tpu.memory_space<vmem>>
    %dma_start3A_159 = tpu.memref_squeeze %dma_start3A_158 : memref<1x128x64xf32, #tpu.memory_space<vmem>> -> memref<128x64xf32, #tpu.memory_space<vmem>>
    %dma_start3A_160 = arith.constant 0 : i32
    %dma_start3A_161 = tpu.memref_slice %arg5[%dma_start3A_154, %dma_start3A_160] : memref<80x128xi32, #tpu.memory_space<vmem>> -> memref<1x128xi32, #tpu.memory_space<vmem>>
    %dma_start3A_162 = tpu.memref_squeeze %dma_start3A_161 : memref<1x128xi32, #tpu.memory_space<vmem>> -> memref<128xi32, #tpu.memory_space<vmem>>
    %dma_start3A_163 = arith.constant 0 : i32
    %dma_start3A_164 = arith.constant 0 : i32
    %dma_start3A_165 = tpu.memref_slice %arg3[%dma_start3A_163, %dma_start3A_164] : memref<1000000x64xf32, #tpu.memory_space<hbm>> -> memref<1000000x64xf32, #tpu.memory_space<hbm>>
    tpu.enqueue_indirect_dma source(%dma_start3A_165 : memref<1000000x64xf32, #tpu.memory_space<hbm>>) target(%dma_start3A_159 : memref<128x64xf32, #tpu.memory_space<vmem>>) offsets(%dma_start3A_162 : memref<128xi32, #tpu.memory_space<vmem>>) semaphore(%arg7 : memref<!tpu.dma_semaphore, #tpu.memory_space<semaphore_mem>>)
    %dma_wait3A_166 = arith.constant 3 : i32
    %dma_wait3A_167 = arith.constant 3 : i32
    %dma_wait3A_168 = arith.constant 0 : i32
    %dma_wait3A_169 = arith.constant 0 : i32
    %dma_wait3A_170 = tpu.memref_slice %arg6[%dma_wait3A_167, %dma_wait3A_168, %dma_wait3A_169] : memref<8x128x64xf32, #tpu.memory_space<vmem>> -> memref<1x128x64xf32, #tpu.memory_space<vmem>>
    %dma_wait3A_171 = tpu.memref_squeeze %dma_wait3A_170 : memref<1x128x64xf32, #tpu.memory_space<vmem>> -> memref<128x64xf32, #tpu.memory_space<vmem>>
    %dma_wait3A_172 = arith.constant 0 : i32
    %dma_wait3A_173 = tpu.memref_slice %arg5[%dma_wait3A_166, %dma_wait3A_172] : memref<80x128xi32, #tpu.memory_space<vmem>> -> memref<1x128xi32, #tpu.memory_space<vmem>>
    %dma_wait3A_174 = tpu.memref_squeeze %dma_wait3A_173 : memref<1x128xi32, #tpu.memory_space<vmem>> -> memref<128xi32, #tpu.memory_space<vmem>>
    %dma_wait3A_175 = arith.constant 0 : i32
    %dma_wait3A_176 = arith.constant 0 : i32
    %dma_wait3A_177 = tpu.memref_slice %arg3[%dma_wait3A_175, %dma_wait3A_176] : memref<1000000x64xf32, #tpu.memory_space<hbm>> -> memref<1000000x64xf32, #tpu.memory_space<hbm>>
    tpu.wait_indirect_dma semaphore(%arg7 : memref<!tpu.dma_semaphore, #tpu.memory_space<semaphore_mem>>) src(%dma_wait3A_177 : memref<1000000x64xf32, #tpu.memory_space<hbm>>) dst(%dma_wait3A_171 : memref<128x64xf32, #tpu.memory_space<vmem>>)
    %add3A_178 = arith.constant 384 : i32
    %add3A_179 = arith.addi %mul3A_2, %add3A_178 : i32
    %dma_start3A_180 = arith.constant 3 : i32
    %dma_start3A_181 = arith.constant 0 : i32
    %dma_start3A_182 = arith.constant 0 : i32
    %dma_start3A_183 = tpu.memref_slice %arg6[%dma_start3A_180, %dma_start3A_181, %dma_start3A_182] : memref<8x128x64xf32, #tpu.memory_space<vmem>> -> memref<1x128x64xf32, #tpu.memory_space<vmem>>
    %dma_start3A_184 = tpu.memref_squeeze %dma_start3A_183 : memref<1x128x64xf32, #tpu.memory_space<vmem>> -> memref<128x64xf32, #tpu.memory_space<vmem>>
    %dma_start3A_185 = arith.constant 0 : i32
    %dma_start3A_186 = tpu.memref_slice %arg4[%add3A_179, %dma_start3A_185] : memref<327680x64xf32, #tpu.memory_space<hbm>> -> memref<128x64xf32, #tpu.memory_space<hbm>>
    %dma_start3A_187 = arith.constant 0 : i32
    %dma_start3A_188 = tpu.memref_slice %arg4[%add3A_179, %dma_start3A_187] : memref<327680x64xf32, #tpu.memory_space<hbm>> -> memref<128x64xf32, #tpu.memory_space<hbm>>
    %dma_start3A_189 = arith.constant 0 : i32
    %dma_start3A_190 = arith.constant 0 : i32
    %dma_start3A_191 = tpu.memref_slice %arg6[%dma_start3A_180, %dma_start3A_189, %dma_start3A_190] : memref<8x128x64xf32, #tpu.memory_space<vmem>> -> memref<1x128x64xf32, #tpu.memory_space<vmem>>
    %dma_start3A_192 = tpu.memref_squeeze %dma_start3A_191 : memref<1x128x64xf32, #tpu.memory_space<vmem>> -> memref<128x64xf32, #tpu.memory_space<vmem>>
    tpu.enqueue_dma source(%dma_start3A_192 : memref<128x64xf32, #tpu.memory_space<vmem>>) target(%dma_start3A_188 : memref<128x64xf32, #tpu.memory_space<hbm>>) target_semaphore(%arg8 : memref<!tpu.dma_semaphore, #tpu.memory_space<semaphore_mem>>)
    %dma_start3A_193 = arith.constant 7 : i32
    %dma_start3A_194 = arith.constant 7 : i32
    %dma_start3A_195 = arith.constant 0 : i32
    %dma_start3A_196 = arith.constant 0 : i32
    %dma_start3A_197 = tpu.memref_slice %arg6[%dma_start3A_194, %dma_start3A_195, %dma_start3A_196] : memref<8x128x64xf32, #tpu.memory_space<vmem>> -> memref<1x128x64xf32, #tpu.memory_space<vmem>>
    %dma_start3A_198 = tpu.memref_squeeze %dma_start3A_197 : memref<1x128x64xf32, #tpu.memory_space<vmem>> -> memref<128x64xf32, #tpu.memory_space<vmem>>
    %dma_start3A_199 = arith.constant 0 : i32
    %dma_start3A_200 = tpu.memref_slice %arg5[%dma_start3A_193, %dma_start3A_199] : memref<80x128xi32, #tpu.memory_space<vmem>> -> memref<1x128xi32, #tpu.memory_space<vmem>>
    %dma_start3A_201 = tpu.memref_squeeze %dma_start3A_200 : memref<1x128xi32, #tpu.memory_space<vmem>> -> memref<128xi32, #tpu.memory_space<vmem>>
    %dma_start3A_202 = arith.constant 0 : i32
    %dma_start3A_203 = arith.constant 0 : i32
    %dma_start3A_204 = tpu.memref_slice %arg3[%dma_start3A_202, %dma_start3A_203] : memref<1000000x64xf32, #tpu.memory_space<hbm>> -> memref<1000000x64xf32, #tpu.memory_space<hbm>>
    tpu.enqueue_indirect_dma source(%dma_start3A_204 : memref<1000000x64xf32, #tpu.memory_space<hbm>>) target(%dma_start3A_198 : memref<128x64xf32, #tpu.memory_space<vmem>>) offsets(%dma_start3A_201 : memref<128xi32, #tpu.memory_space<vmem>>) semaphore(%arg7 : memref<!tpu.dma_semaphore, #tpu.memory_space<semaphore_mem>>)
    %scan3A = arith.constant 0 : i32
    %scan3A_205 = arith.constant 4 : i32
    %scan3A_206 = arith.constant 72 : i32
    %scan3A_207 = arith.addi %scan3A_205, %scan3A_206 : i32
    %scan3A_208 = arith.constant 1 : i32
    scf.for %scan3A_438 = %scan3A_205 to %scan3A_207 step %scan3A_208  : i32 {
      %rem3A = arith.constant 8 : i32
      %rem3A_439 = arith.remsi %scan3A_438, %rem3A : i32
      %dma_wait3A_440 = arith.constant 0 : i32
      %dma_wait3A_441 = arith.constant 0 : i32
      %dma_wait3A_442 = tpu.memref_slice %arg6[%rem3A_439, %dma_wait3A_440, %dma_wait3A_441] : memref<8x128x64xf32, #tpu.memory_space<vmem>> -> memref<1x128x64xf32, #tpu.memory_space<vmem>>
      %dma_wait3A_443 = tpu.memref_squeeze %dma_wait3A_442 : memref<1x128x64xf32, #tpu.memory_space<vmem>> -> memref<128x64xf32, #tpu.memory_space<vmem>>
      %dma_wait3A_444 = arith.constant 0 : i32
      %dma_wait3A_445 = tpu.memref_slice %arg5[%scan3A_438, %dma_wait3A_444] : memref<80x128xi32, #tpu.memory_space<vmem>> -> memref<1x128xi32, #tpu.memory_space<vmem>>
      %dma_wait3A_446 = tpu.memref_squeeze %dma_wait3A_445 : memref<1x128xi32, #tpu.memory_space<vmem>> -> memref<128xi32, #tpu.memory_space<vmem>>
      %dma_wait3A_447 = arith.constant 0 : i32
      %dma_wait3A_448 = arith.constant 0 : i32
      %dma_wait3A_449 = tpu.memref_slice %arg3[%dma_wait3A_447, %dma_wait3A_448] : memref<1000000x64xf32, #tpu.memory_space<hbm>> -> memref<1000000x64xf32, #tpu.memory_space<hbm>>
      tpu.wait_indirect_dma semaphore(%arg7 : memref<!tpu.dma_semaphore, #tpu.memory_space<semaphore_mem>>) src(%dma_wait3A_449 : memref<1000000x64xf32, #tpu.memory_space<hbm>>) dst(%dma_wait3A_443 : memref<128x64xf32, #tpu.memory_space<vmem>>)
      %mul3A_450 = arith.constant 128 : i32
      %mul3A_451 = arith.muli %scan3A_438, %mul3A_450 : i32
      %add3A_452 = arith.addi %mul3A_2, %mul3A_451 : i32
      %dma_start3A_453 = arith.constant 0 : i32
      %dma_start3A_454 = arith.constant 0 : i32
      %dma_start3A_455 = tpu.memref_slice %arg6[%rem3A_439, %dma_start3A_453, %dma_start3A_454] : memref<8x128x64xf32, #tpu.memory_space<vmem>> -> memref<1x128x64xf32, #tpu.memory_space<vmem>>
      %dma_start3A_456 = tpu.memref_squeeze %dma_start3A_455 : memref<1x128x64xf32, #tpu.memory_space<vmem>> -> memref<128x64xf32, #tpu.memory_space<vmem>>
      %dma_start3A_457 = arith.constant 0 : i32
      %dma_start3A_458 = tpu.memref_slice %arg4[%add3A_452, %dma_start3A_457] : memref<327680x64xf32, #tpu.memory_space<hbm>> -> memref<128x64xf32, #tpu.memory_space<hbm>>
      %dma_start3A_459 = arith.constant 0 : i32
      %dma_start3A_460 = tpu.memref_slice %arg4[%add3A_452, %dma_start3A_459] : memref<327680x64xf32, #tpu.memory_space<hbm>> -> memref<128x64xf32, #tpu.memory_space<hbm>>
      %dma_start3A_461 = arith.constant 0 : i32
      %dma_start3A_462 = arith.constant 0 : i32
      %dma_start3A_463 = tpu.memref_slice %arg6[%rem3A_439, %dma_start3A_461, %dma_start3A_462] : memref<8x128x64xf32, #tpu.memory_space<vmem>> -> memref<1x128x64xf32, #tpu.memory_space<vmem>>
      %dma_start3A_464 = tpu.memref_squeeze %dma_start3A_463 : memref<1x128x64xf32, #tpu.memory_space<vmem>> -> memref<128x64xf32, #tpu.memory_space<vmem>>
      tpu.enqueue_dma source(%dma_start3A_464 : memref<128x64xf32, #tpu.memory_space<vmem>>) target(%dma_start3A_460 : memref<128x64xf32, #tpu.memory_space<hbm>>) target_semaphore(%arg8 : memref<!tpu.dma_semaphore, #tpu.memory_space<semaphore_mem>>)
      %add3A_465 = arith.constant 4 : i32
      %add3A_466 = arith.addi %scan3A_438, %add3A_465 : i32
      %rem3A_467 = arith.constant 8 : i32
      %rem3A_468 = arith.remsi %add3A_466, %rem3A_467 : i32
      %sub3A = arith.constant 8 : i32
      %sub3A_469 = arith.subi %add3A_466, %sub3A : i32
      %mul3A_470 = arith.constant 128 : i32
      %mul3A_471 = arith.muli %sub3A_469, %mul3A_470 : i32
      %add3A_472 = arith.addi %mul3A_2, %mul3A_471 : i32
      %dma_wait3A_473 = arith.constant 0 : i32
      %dma_wait3A_474 = arith.constant 0 : i32
      %dma_wait3A_475 = tpu.memref_slice %arg6[%rem3A_468, %dma_wait3A_473, %dma_wait3A_474] : memref<8x128x64xf32, #tpu.memory_space<vmem>> -> memref<1x128x64xf32, #tpu.memory_space<vmem>>
      %dma_wait3A_476 = tpu.memref_squeeze %dma_wait3A_475 : memref<1x128x64xf32, #tpu.memory_space<vmem>> -> memref<128x64xf32, #tpu.memory_space<vmem>>
      %dma_wait3A_477 = arith.constant 0 : i32
      %dma_wait3A_478 = tpu.memref_slice %arg4[%add3A_472, %dma_wait3A_477] : memref<327680x64xf32, #tpu.memory_space<hbm>> -> memref<128x64xf32, #tpu.memory_space<hbm>>
      %dma_wait3A_479 = arith.constant 0 : i32
      %dma_wait3A_480 = tpu.memref_slice %arg4[%add3A_472, %dma_wait3A_479] : memref<327680x64xf32, #tpu.memory_space<hbm>> -> memref<128x64xf32, #tpu.memory_space<hbm>>
      %dma_wait3A_481 = arith.constant 0 : i32
      %dma_wait3A_482 = arith.constant 0 : i32
      %dma_wait3A_483 = tpu.memref_slice %arg6[%rem3A_468, %dma_wait3A_481, %dma_wait3A_482] : memref<8x128x64xf32, #tpu.memory_space<vmem>> -> memref<1x128x64xf32, #tpu.memory_space<vmem>>
      %dma_wait3A_484 = tpu.memref_squeeze %dma_wait3A_483 : memref<1x128x64xf32, #tpu.memory_space<vmem>> -> memref<128x64xf32, #tpu.memory_space<vmem>>
      tpu.wait_dma2 semaphore(%arg8 : memref<!tpu.dma_semaphore, #tpu.memory_space<semaphore_mem>>) src(%dma_wait3A_484 : memref<128x64xf32, #tpu.memory_space<vmem>>) dst(%dma_wait3A_480 : memref<128x64xf32, #tpu.memory_space<hbm>>)
      %dma_start3A_485 = arith.constant 0 : i32
      %dma_start3A_486 = arith.constant 0 : i32
      %dma_start3A_487 = tpu.memref_slice %arg6[%rem3A_468, %dma_start3A_485, %dma_start3A_486] : memref<8x128x64xf32, #tpu.memory_space<vmem>> -> memref<1x128x64xf32, #tpu.memory_space<vmem>>
      %dma_start3A_488 = tpu.memref_squeeze %dma_start3A_487 : memref<1x128x64xf32, #tpu.memory_space<vmem>> -> memref<128x64xf32, #tpu.memory_space<vmem>>
      %dma_start3A_489 = arith.constant 0 : i32
      %dma_start3A_490 = tpu.memref_slice %arg5[%add3A_466, %dma_start3A_489] : memref<80x128xi32, #tpu.memory_space<vmem>> -> memref<1x128xi32, #tpu.memory_space<vmem>>
      %dma_start3A_491 = tpu.memref_squeeze %dma_start3A_490 : memref<1x128xi32, #tpu.memory_space<vmem>> -> memref<128xi32, #tpu.memory_space<vmem>>
      %dma_start3A_492 = arith.constant 0 : i32
      %dma_start3A_493 = arith.constant 0 : i32
      %dma_start3A_494 = tpu.memref_slice %arg3[%dma_start3A_492, %dma_start3A_493] : memref<1000000x64xf32, #tpu.memory_space<hbm>> -> memref<1000000x64xf32, #tpu.memory_space<hbm>>
      tpu.enqueue_indirect_dma source(%dma_start3A_494 : memref<1000000x64xf32, #tpu.memory_space<hbm>>) target(%dma_start3A_488 : memref<128x64xf32, #tpu.memory_space<vmem>>) offsets(%dma_start3A_491 : memref<128xi32, #tpu.memory_space<vmem>>) semaphore(%arg7 : memref<!tpu.dma_semaphore, #tpu.memory_space<semaphore_mem>>)
    }
    %scan3A_209 = arith.constant 72 : i32
    %dma_wait3A_210 = arith.constant 76 : i32
    %dma_wait3A_211 = arith.constant 4 : i32
    %dma_wait3A_212 = arith.constant 0 : i32
    %dma_wait3A_213 = arith.constant 0 : i32
    %dma_wait3A_214 = tpu.memref_slice %arg6[%dma_wait3A_211, %dma_wait3A_212, %dma_wait3A_213] : memref<8x128x64xf32, #tpu.memory_space<vmem>> -> memref<1x128x64xf32, #tpu.memory_space<vmem>>
    %dma_wait3A_215 = tpu.memref_squeeze %dma_wait3A_214 : memref<1x128x64xf32, #tpu.memory_space<vmem>> -> memref<128x64xf32, #tpu.memory_space<vmem>>
    %dma_wait3A_216 = arith.constant 0 : i32
    %dma_wait3A_217 = tpu.memref_slice %arg5[%dma_wait3A_210, %dma_wait3A_216] : memref<80x128xi32, #tpu.memory_space<vmem>> -> memref<1x128xi32, #tpu.memory_space<vmem>>
    %dma_wait3A_218 = tpu.memref_squeeze %dma_wait3A_217 : memref<1x128xi32, #tpu.memory_space<vmem>> -> memref<128xi32, #tpu.memory_space<vmem>>
    %dma_wait3A_219 = arith.constant 0 : i32
    %dma_wait3A_220 = arith.constant 0 : i32
    %dma_wait3A_221 = tpu.memref_slice %arg3[%dma_wait3A_219, %dma_wait3A_220] : memref<1000000x64xf32, #tpu.memory_space<hbm>> -> memref<1000000x64xf32, #tpu.memory_space<hbm>>
    tpu.wait_indirect_dma semaphore(%arg7 : memref<!tpu.dma_semaphore, #tpu.memory_space<semaphore_mem>>) src(%dma_wait3A_221 : memref<1000000x64xf32, #tpu.memory_space<hbm>>) dst(%dma_wait3A_215 : memref<128x64xf32, #tpu.memory_space<vmem>>)
    %add3A_222 = arith.constant 9728 : i32
    %add3A_223 = arith.addi %mul3A_2, %add3A_222 : i32
    %dma_start3A_224 = arith.constant 4 : i32
    %dma_start3A_225 = arith.constant 0 : i32
    %dma_start3A_226 = arith.constant 0 : i32
    %dma_start3A_227 = tpu.memref_slice %arg6[%dma_start3A_224, %dma_start3A_225, %dma_start3A_226] : memref<8x128x64xf32, #tpu.memory_space<vmem>> -> memref<1x128x64xf32, #tpu.memory_space<vmem>>
    %dma_start3A_228 = tpu.memref_squeeze %dma_start3A_227 : memref<1x128x64xf32, #tpu.memory_space<vmem>> -> memref<128x64xf32, #tpu.memory_space<vmem>>
    %dma_start3A_229 = arith.constant 0 : i32
    %dma_start3A_230 = tpu.memref_slice %arg4[%add3A_223, %dma_start3A_229] : memref<327680x64xf32, #tpu.memory_space<hbm>> -> memref<128x64xf32, #tpu.memory_space<hbm>>
    %dma_start3A_231 = arith.constant 0 : i32
    %dma_start3A_232 = tpu.memref_slice %arg4[%add3A_223, %dma_start3A_231] : memref<327680x64xf32, #tpu.memory_space<hbm>> -> memref<128x64xf32, #tpu.memory_space<hbm>>
    %dma_start3A_233 = arith.constant 0 : i32
    %dma_start3A_234 = arith.constant 0 : i32
    %dma_start3A_235 = tpu.memref_slice %arg6[%dma_start3A_224, %dma_start3A_233, %dma_start3A_234] : memref<8x128x64xf32, #tpu.memory_space<vmem>> -> memref<1x128x64xf32, #tpu.memory_space<vmem>>
    %dma_start3A_236 = tpu.memref_squeeze %dma_start3A_235 : memref<1x128x64xf32, #tpu.memory_space<vmem>> -> memref<128x64xf32, #tpu.memory_space<vmem>>
    tpu.enqueue_dma source(%dma_start3A_236 : memref<128x64xf32, #tpu.memory_space<vmem>>) target(%dma_start3A_232 : memref<128x64xf32, #tpu.memory_space<hbm>>) target_semaphore(%arg8 : memref<!tpu.dma_semaphore, #tpu.memory_space<semaphore_mem>>)
    %dma_wait3A_237 = arith.constant 77 : i32
    %dma_wait3A_238 = arith.constant 5 : i32
    %dma_wait3A_239 = arith.constant 0 : i32
    %dma_wait3A_240 = arith.constant 0 : i32
    %dma_wait3A_241 = tpu.memref_slice %arg6[%dma_wait3A_238, %dma_wait3A_239, %dma_wait3A_240] : memref<8x128x64xf32, #tpu.memory_space<vmem>> -> memref<1x128x64xf32, #tpu.memory_space<vmem>>
    %dma_wait3A_242 = tpu.memref_squeeze %dma_wait3A_241 : memref<1x128x64xf32, #tpu.memory_space<vmem>> -> memref<128x64xf32, #tpu.memory_space<vmem>>
    %dma_wait3A_243 = arith.constant 0 : i32
    %dma_wait3A_244 = tpu.memref_slice %arg5[%dma_wait3A_237, %dma_wait3A_243] : memref<80x128xi32, #tpu.memory_space<vmem>> -> memref<1x128xi32, #tpu.memory_space<vmem>>
    %dma_wait3A_245 = tpu.memref_squeeze %dma_wait3A_244 : memref<1x128xi32, #tpu.memory_space<vmem>> -> memref<128xi32, #tpu.memory_space<vmem>>
    %dma_wait3A_246 = arith.constant 0 : i32
    %dma_wait3A_247 = arith.constant 0 : i32
    %dma_wait3A_248 = tpu.memref_slice %arg3[%dma_wait3A_246, %dma_wait3A_247] : memref<1000000x64xf32, #tpu.memory_space<hbm>> -> memref<1000000x64xf32, #tpu.memory_space<hbm>>
    tpu.wait_indirect_dma semaphore(%arg7 : memref<!tpu.dma_semaphore, #tpu.memory_space<semaphore_mem>>) src(%dma_wait3A_248 : memref<1000000x64xf32, #tpu.memory_space<hbm>>) dst(%dma_wait3A_242 : memref<128x64xf32, #tpu.memory_space<vmem>>)
    %add3A_249 = arith.constant 9856 : i32
    %add3A_250 = arith.addi %mul3A_2, %add3A_249 : i32
    %dma_start3A_251 = arith.constant 5 : i32
    %dma_start3A_252 = arith.constant 0 : i32
    %dma_start3A_253 = arith.constant 0 : i32
    %dma_start3A_254 = tpu.memref_slice %arg6[%dma_start3A_251, %dma_start3A_252, %dma_start3A_253] : memref<8x128x64xf32, #tpu.memory_space<vmem>> -> memref<1x128x64xf32, #tpu.memory_space<vmem>>
    %dma_start3A_255 = tpu.memref_squeeze %dma_start3A_254 : memref<1x128x64xf32, #tpu.memory_space<vmem>> -> memref<128x64xf32, #tpu.memory_space<vmem>>
    %dma_start3A_256 = arith.constant 0 : i32
    %dma_start3A_257 = tpu.memref_slice %arg4[%add3A_250, %dma_start3A_256] : memref<327680x64xf32, #tpu.memory_space<hbm>> -> memref<128x64xf32, #tpu.memory_space<hbm>>
    %dma_start3A_258 = arith.constant 0 : i32
    %dma_start3A_259 = tpu.memref_slice %arg4[%add3A_250, %dma_start3A_258] : memref<327680x64xf32, #tpu.memory_space<hbm>> -> memref<128x64xf32, #tpu.memory_space<hbm>>
    %dma_start3A_260 = arith.constant 0 : i32
    %dma_start3A_261 = arith.constant 0 : i32
    %dma_start3A_262 = tpu.memref_slice %arg6[%dma_start3A_251, %dma_start3A_260, %dma_start3A_261] : memref<8x128x64xf32, #tpu.memory_space<vmem>> -> memref<1x128x64xf32, #tpu.memory_space<vmem>>
    %dma_start3A_263 = tpu.memref_squeeze %dma_start3A_262 : memref<1x128x64xf32, #tpu.memory_space<vmem>> -> memref<128x64xf32, #tpu.memory_space<vmem>>
    tpu.enqueue_dma source(%dma_start3A_263 : memref<128x64xf32, #tpu.memory_space<vmem>>) target(%dma_start3A_259 : memref<128x64xf32, #tpu.memory_space<hbm>>) target_semaphore(%arg8 : memref<!tpu.dma_semaphore, #tpu.memory_space<semaphore_mem>>)
    %dma_wait3A_264 = arith.constant 78 : i32
    %dma_wait3A_265 = arith.constant 6 : i32
    %dma_wait3A_266 = arith.constant 0 : i32
    %dma_wait3A_267 = arith.constant 0 : i32
    %dma_wait3A_268 = tpu.memref_slice %arg6[%dma_wait3A_265, %dma_wait3A_266, %dma_wait3A_267] : memref<8x128x64xf32, #tpu.memory_space<vmem>> -> memref<1x128x64xf32, #tpu.memory_space<vmem>>
    %dma_wait3A_269 = tpu.memref_squeeze %dma_wait3A_268 : memref<1x128x64xf32, #tpu.memory_space<vmem>> -> memref<128x64xf32, #tpu.memory_space<vmem>>
    %dma_wait3A_270 = arith.constant 0 : i32
    %dma_wait3A_271 = tpu.memref_slice %arg5[%dma_wait3A_264, %dma_wait3A_270] : memref<80x128xi32, #tpu.memory_space<vmem>> -> memref<1x128xi32, #tpu.memory_space<vmem>>
    %dma_wait3A_272 = tpu.memref_squeeze %dma_wait3A_271 : memref<1x128xi32, #tpu.memory_space<vmem>> -> memref<128xi32, #tpu.memory_space<vmem>>
    %dma_wait3A_273 = arith.constant 0 : i32
    %dma_wait3A_274 = arith.constant 0 : i32
    %dma_wait3A_275 = tpu.memref_slice %arg3[%dma_wait3A_273, %dma_wait3A_274] : memref<1000000x64xf32, #tpu.memory_space<hbm>> -> memref<1000000x64xf32, #tpu.memory_space<hbm>>
    tpu.wait_indirect_dma semaphore(%arg7 : memref<!tpu.dma_semaphore, #tpu.memory_space<semaphore_mem>>) src(%dma_wait3A_275 : memref<1000000x64xf32, #tpu.memory_space<hbm>>) dst(%dma_wait3A_269 : memref<128x64xf32, #tpu.memory_space<vmem>>)
    %add3A_276 = arith.constant 9984 : i32
    %add3A_277 = arith.addi %mul3A_2, %add3A_276 : i32
    %dma_start3A_278 = arith.constant 6 : i32
    %dma_start3A_279 = arith.constant 0 : i32
    %dma_start3A_280 = arith.constant 0 : i32
    %dma_start3A_281 = tpu.memref_slice %arg6[%dma_start3A_278, %dma_start3A_279, %dma_start3A_280] : memref<8x128x64xf32, #tpu.memory_space<vmem>> -> memref<1x128x64xf32, #tpu.memory_space<vmem>>
    %dma_start3A_282 = tpu.memref_squeeze %dma_start3A_281 : memref<1x128x64xf32, #tpu.memory_space<vmem>> -> memref<128x64xf32, #tpu.memory_space<vmem>>
    %dma_start3A_283 = arith.constant 0 : i32
    %dma_start3A_284 = tpu.memref_slice %arg4[%add3A_277, %dma_start3A_283] : memref<327680x64xf32, #tpu.memory_space<hbm>> -> memref<128x64xf32, #tpu.memory_space<hbm>>
    %dma_start3A_285 = arith.constant 0 : i32
    %dma_start3A_286 = tpu.memref_slice %arg4[%add3A_277, %dma_start3A_285] : memref<327680x64xf32, #tpu.memory_space<hbm>> -> memref<128x64xf32, #tpu.memory_space<hbm>>
    %dma_start3A_287 = arith.constant 0 : i32
    %dma_start3A_288 = arith.constant 0 : i32
    %dma_start3A_289 = tpu.memref_slice %arg6[%dma_start3A_278, %dma_start3A_287, %dma_start3A_288] : memref<8x128x64xf32, #tpu.memory_space<vmem>> -> memref<1x128x64xf32, #tpu.memory_space<vmem>>
    %dma_start3A_290 = tpu.memref_squeeze %dma_start3A_289 : memref<1x128x64xf32, #tpu.memory_space<vmem>> -> memref<128x64xf32, #tpu.memory_space<vmem>>
    tpu.enqueue_dma source(%dma_start3A_290 : memref<128x64xf32, #tpu.memory_space<vmem>>) target(%dma_start3A_286 : memref<128x64xf32, #tpu.memory_space<hbm>>) target_semaphore(%arg8 : memref<!tpu.dma_semaphore, #tpu.memory_space<semaphore_mem>>)
    %dma_wait3A_291 = arith.constant 79 : i32
    %dma_wait3A_292 = arith.constant 7 : i32
    %dma_wait3A_293 = arith.constant 0 : i32
    %dma_wait3A_294 = arith.constant 0 : i32
    %dma_wait3A_295 = tpu.memref_slice %arg6[%dma_wait3A_292, %dma_wait3A_293, %dma_wait3A_294] : memref<8x128x64xf32, #tpu.memory_space<vmem>> -> memref<1x128x64xf32, #tpu.memory_space<vmem>>
    %dma_wait3A_296 = tpu.memref_squeeze %dma_wait3A_295 : memref<1x128x64xf32, #tpu.memory_space<vmem>> -> memref<128x64xf32, #tpu.memory_space<vmem>>
    %dma_wait3A_297 = arith.constant 0 : i32
    %dma_wait3A_298 = tpu.memref_slice %arg5[%dma_wait3A_291, %dma_wait3A_297] : memref<80x128xi32, #tpu.memory_space<vmem>> -> memref<1x128xi32, #tpu.memory_space<vmem>>
    %dma_wait3A_299 = tpu.memref_squeeze %dma_wait3A_298 : memref<1x128xi32, #tpu.memory_space<vmem>> -> memref<128xi32, #tpu.memory_space<vmem>>
    %dma_wait3A_300 = arith.constant 0 : i32
    %dma_wait3A_301 = arith.constant 0 : i32
    %dma_wait3A_302 = tpu.memref_slice %arg3[%dma_wait3A_300, %dma_wait3A_301] : memref<1000000x64xf32, #tpu.memory_space<hbm>> -> memref<1000000x64xf32, #tpu.memory_space<hbm>>
    tpu.wait_indirect_dma semaphore(%arg7 : memref<!tpu.dma_semaphore, #tpu.memory_space<semaphore_mem>>) src(%dma_wait3A_302 : memref<1000000x64xf32, #tpu.memory_space<hbm>>) dst(%dma_wait3A_296 : memref<128x64xf32, #tpu.memory_space<vmem>>)
    %add3A_303 = arith.constant 10112 : i32
    %add3A_304 = arith.addi %mul3A_2, %add3A_303 : i32
    %dma_start3A_305 = arith.constant 7 : i32
    %dma_start3A_306 = arith.constant 0 : i32
    %dma_start3A_307 = arith.constant 0 : i32
    %dma_start3A_308 = tpu.memref_slice %arg6[%dma_start3A_305, %dma_start3A_306, %dma_start3A_307] : memref<8x128x64xf32, #tpu.memory_space<vmem>> -> memref<1x128x64xf32, #tpu.memory_space<vmem>>
    %dma_start3A_309 = tpu.memref_squeeze %dma_start3A_308 : memref<1x128x64xf32, #tpu.memory_space<vmem>> -> memref<128x64xf32, #tpu.memory_space<vmem>>
    %dma_start3A_310 = arith.constant 0 : i32
    %dma_start3A_311 = tpu.memref_slice %arg4[%add3A_304, %dma_start3A_310] : memref<327680x64xf32, #tpu.memory_space<hbm>> -> memref<128x64xf32, #tpu.memory_space<hbm>>
    %dma_start3A_312 = arith.constant 0 : i32
    %dma_start3A_313 = tpu.memref_slice %arg4[%add3A_304, %dma_start3A_312] : memref<327680x64xf32, #tpu.memory_space<hbm>> -> memref<128x64xf32, #tpu.memory_space<hbm>>
    %dma_start3A_314 = arith.constant 0 : i32
    %dma_start3A_315 = arith.constant 0 : i32
    %dma_start3A_316 = tpu.memref_slice %arg6[%dma_start3A_305, %dma_start3A_314, %dma_start3A_315] : memref<8x128x64xf32, #tpu.memory_space<vmem>> -> memref<1x128x64xf32, #tpu.memory_space<vmem>>
    %dma_start3A_317 = tpu.memref_squeeze %dma_start3A_316 : memref<1x128x64xf32, #tpu.memory_space<vmem>> -> memref<128x64xf32, #tpu.memory_space<vmem>>
    tpu.enqueue_dma source(%dma_start3A_317 : memref<128x64xf32, #tpu.memory_space<vmem>>) target(%dma_start3A_313 : memref<128x64xf32, #tpu.memory_space<hbm>>) target_semaphore(%arg8 : memref<!tpu.dma_semaphore, #tpu.memory_space<semaphore_mem>>)
    %add3A_318 = arith.constant 9216 : i32
    %add3A_319 = arith.addi %mul3A_2, %add3A_318 : i32
    %dma_wait3A_320 = arith.constant 0 : i32
    %dma_wait3A_321 = arith.constant 0 : i32
    %dma_wait3A_322 = arith.constant 0 : i32
    %dma_wait3A_323 = tpu.memref_slice %arg6[%dma_wait3A_320, %dma_wait3A_321, %dma_wait3A_322] : memref<8x128x64xf32, #tpu.memory_space<vmem>> -> memref<1x128x64xf32, #tpu.memory_space<vmem>>
    %dma_wait3A_324 = tpu.memref_squeeze %dma_wait3A_323 : memref<1x128x64xf32, #tpu.memory_space<vmem>> -> memref<128x64xf32, #tpu.memory_space<vmem>>
    %dma_wait3A_325 = arith.constant 0 : i32
    %dma_wait3A_326 = tpu.memref_slice %arg4[%add3A_319, %dma_wait3A_325] : memref<327680x64xf32, #tpu.memory_space<hbm>> -> memref<128x64xf32, #tpu.memory_space<hbm>>
    %dma_wait3A_327 = arith.constant 0 : i32
    %dma_wait3A_328 = tpu.memref_slice %arg4[%add3A_319, %dma_wait3A_327] : memref<327680x64xf32, #tpu.memory_space<hbm>> -> memref<128x64xf32, #tpu.memory_space<hbm>>
    %dma_wait3A_329 = arith.constant 0 : i32
    %dma_wait3A_330 = arith.constant 0 : i32
    %dma_wait3A_331 = tpu.memref_slice %arg6[%dma_wait3A_320, %dma_wait3A_329, %dma_wait3A_330] : memref<8x128x64xf32, #tpu.memory_space<vmem>> -> memref<1x128x64xf32, #tpu.memory_space<vmem>>
    %dma_wait3A_332 = tpu.memref_squeeze %dma_wait3A_331 : memref<1x128x64xf32, #tpu.memory_space<vmem>> -> memref<128x64xf32, #tpu.memory_space<vmem>>
    tpu.wait_dma2 semaphore(%arg8 : memref<!tpu.dma_semaphore, #tpu.memory_space<semaphore_mem>>) src(%dma_wait3A_332 : memref<128x64xf32, #tpu.memory_space<vmem>>) dst(%dma_wait3A_328 : memref<128x64xf32, #tpu.memory_space<hbm>>)
    %add3A_333 = arith.constant 9344 : i32
    %add3A_334 = arith.addi %mul3A_2, %add3A_333 : i32
    %dma_wait3A_335 = arith.constant 1 : i32
    %dma_wait3A_336 = arith.constant 0 : i32
    %dma_wait3A_337 = arith.constant 0 : i32
    %dma_wait3A_338 = tpu.memref_slice %arg6[%dma_wait3A_335, %dma_wait3A_336, %dma_wait3A_337] : memref<8x128x64xf32, #tpu.memory_space<vmem>> -> memref<1x128x64xf32, #tpu.memory_space<vmem>>
    %dma_wait3A_339 = tpu.memref_squeeze %dma_wait3A_338 : memref<1x128x64xf32, #tpu.memory_space<vmem>> -> memref<128x64xf32, #tpu.memory_space<vmem>>
    %dma_wait3A_340 = arith.constant 0 : i32
    %dma_wait3A_341 = tpu.memref_slice %arg4[%add3A_334, %dma_wait3A_340] : memref<327680x64xf32, #tpu.memory_space<hbm>> -> memref<128x64xf32, #tpu.memory_space<hbm>>
    %dma_wait3A_342 = arith.constant 0 : i32
    %dma_wait3A_343 = tpu.memref_slice %arg4[%add3A_334, %dma_wait3A_342] : memref<327680x64xf32, #tpu.memory_space<hbm>> -> memref<128x64xf32, #tpu.memory_space<hbm>>
    %dma_wait3A_344 = arith.constant 0 : i32
    %dma_wait3A_345 = arith.constant 0 : i32
    %dma_wait3A_346 = tpu.memref_slice %arg6[%dma_wait3A_335, %dma_wait3A_344, %dma_wait3A_345] : memref<8x128x64xf32, #tpu.memory_space<vmem>> -> memref<1x128x64xf32, #tpu.memory_space<vmem>>
    %dma_wait3A_347 = tpu.memref_squeeze %dma_wait3A_346 : memref<1x128x64xf32, #tpu.memory_space<vmem>> -> memref<128x64xf32, #tpu.memory_space<vmem>>
    tpu.wait_dma2 semaphore(%arg8 : memref<!tpu.dma_semaphore, #tpu.memory_space<semaphore_mem>>) src(%dma_wait3A_347 : memref<128x64xf32, #tpu.memory_space<vmem>>) dst(%dma_wait3A_343 : memref<128x64xf32, #tpu.memory_space<hbm>>)
    %add3A_348 = arith.constant 9472 : i32
    %add3A_349 = arith.addi %mul3A_2, %add3A_348 : i32
    %dma_wait3A_350 = arith.constant 2 : i32
    %dma_wait3A_351 = arith.constant 0 : i32
    %dma_wait3A_352 = arith.constant 0 : i32
    %dma_wait3A_353 = tpu.memref_slice %arg6[%dma_wait3A_350, %dma_wait3A_351, %dma_wait3A_352] : memref<8x128x64xf32, #tpu.memory_space<vmem>> -> memref<1x128x64xf32, #tpu.memory_space<vmem>>
    %dma_wait3A_354 = tpu.memref_squeeze %dma_wait3A_353 : memref<1x128x64xf32, #tpu.memory_space<vmem>> -> memref<128x64xf32, #tpu.memory_space<vmem>>
    %dma_wait3A_355 = arith.constant 0 : i32
    %dma_wait3A_356 = tpu.memref_slice %arg4[%add3A_349, %dma_wait3A_355] : memref<327680x64xf32, #tpu.memory_space<hbm>> -> memref<128x64xf32, #tpu.memory_space<hbm>>
    %dma_wait3A_357 = arith.constant 0 : i32
    %dma_wait3A_358 = tpu.memref_slice %arg4[%add3A_349, %dma_wait3A_357] : memref<327680x64xf32, #tpu.memory_space<hbm>> -> memref<128x64xf32, #tpu.memory_space<hbm>>
    %dma_wait3A_359 = arith.constant 0 : i32
    %dma_wait3A_360 = arith.constant 0 : i32
    %dma_wait3A_361 = tpu.memref_slice %arg6[%dma_wait3A_350, %dma_wait3A_359, %dma_wait3A_360] : memref<8x128x64xf32, #tpu.memory_space<vmem>> -> memref<1x128x64xf32, #tpu.memory_space<vmem>>
    %dma_wait3A_362 = tpu.memref_squeeze %dma_wait3A_361 : memref<1x128x64xf32, #tpu.memory_space<vmem>> -> memref<128x64xf32, #tpu.memory_space<vmem>>
    tpu.wait_dma2 semaphore(%arg8 : memref<!tpu.dma_semaphore, #tpu.memory_space<semaphore_mem>>) src(%dma_wait3A_362 : memref<128x64xf32, #tpu.memory_space<vmem>>) dst(%dma_wait3A_358 : memref<128x64xf32, #tpu.memory_space<hbm>>)
    %add3A_363 = arith.constant 9600 : i32
    %add3A_364 = arith.addi %mul3A_2, %add3A_363 : i32
    %dma_wait3A_365 = arith.constant 3 : i32
    %dma_wait3A_366 = arith.constant 0 : i32
    %dma_wait3A_367 = arith.constant 0 : i32
    %dma_wait3A_368 = tpu.memref_slice %arg6[%dma_wait3A_365, %dma_wait3A_366, %dma_wait3A_367] : memref<8x128x64xf32, #tpu.memory_space<vmem>> -> memref<1x128x64xf32, #tpu.memory_space<vmem>>
    %dma_wait3A_369 = tpu.memref_squeeze %dma_wait3A_368 : memref<1x128x64xf32, #tpu.memory_space<vmem>> -> memref<128x64xf32, #tpu.memory_space<vmem>>
    %dma_wait3A_370 = arith.constant 0 : i32
    %dma_wait3A_371 = tpu.memref_slice %arg4[%add3A_364, %dma_wait3A_370] : memref<327680x64xf32, #tpu.memory_space<hbm>> -> memref<128x64xf32, #tpu.memory_space<hbm>>
    %dma_wait3A_372 = arith.constant 0 : i32
    %dma_wait3A_373 = tpu.memref_slice %arg4[%add3A_364, %dma_wait3A_372] : memref<327680x64xf32, #tpu.memory_space<hbm>> -> memref<128x64xf32, #tpu.memory_space<hbm>>
    %dma_wait3A_374 = arith.constant 0 : i32
    %dma_wait3A_375 = arith.constant 0 : i32
    %dma_wait3A_376 = tpu.memref_slice %arg6[%dma_wait3A_365, %dma_wait3A_374, %dma_wait3A_375] : memref<8x128x64xf32, #tpu.memory_space<vmem>> -> memref<1x128x64xf32, #tpu.memory_space<vmem>>
    %dma_wait3A_377 = tpu.memref_squeeze %dma_wait3A_376 : memref<1x128x64xf32, #tpu.memory_space<vmem>> -> memref<128x64xf32, #tpu.memory_space<vmem>>
    tpu.wait_dma2 semaphore(%arg8 : memref<!tpu.dma_semaphore, #tpu.memory_space<semaphore_mem>>) src(%dma_wait3A_377 : memref<128x64xf32, #tpu.memory_space<vmem>>) dst(%dma_wait3A_373 : memref<128x64xf32, #tpu.memory_space<hbm>>)
    %add3A_378 = arith.constant 9728 : i32
    %add3A_379 = arith.addi %mul3A_2, %add3A_378 : i32
    %dma_wait3A_380 = arith.constant 4 : i32
    %dma_wait3A_381 = arith.constant 0 : i32
    %dma_wait3A_382 = arith.constant 0 : i32
    %dma_wait3A_383 = tpu.memref_slice %arg6[%dma_wait3A_380, %dma_wait3A_381, %dma_wait3A_382] : memref<8x128x64xf32, #tpu.memory_space<vmem>> -> memref<1x128x64xf32, #tpu.memory_space<vmem>>
    %dma_wait3A_384 = tpu.memref_squeeze %dma_wait3A_383 : memref<1x128x64xf32, #tpu.memory_space<vmem>> -> memref<128x64xf32, #tpu.memory_space<vmem>>
    %dma_wait3A_385 = arith.constant 0 : i32
    %dma_wait3A_386 = tpu.memref_slice %arg4[%add3A_379, %dma_wait3A_385] : memref<327680x64xf32, #tpu.memory_space<hbm>> -> memref<128x64xf32, #tpu.memory_space<hbm>>
    %dma_wait3A_387 = arith.constant 0 : i32
    %dma_wait3A_388 = tpu.memref_slice %arg4[%add3A_379, %dma_wait3A_387] : memref<327680x64xf32, #tpu.memory_space<hbm>> -> memref<128x64xf32, #tpu.memory_space<hbm>>
    %dma_wait3A_389 = arith.constant 0 : i32
    %dma_wait3A_390 = arith.constant 0 : i32
    %dma_wait3A_391 = tpu.memref_slice %arg6[%dma_wait3A_380, %dma_wait3A_389, %dma_wait3A_390] : memref<8x128x64xf32, #tpu.memory_space<vmem>> -> memref<1x128x64xf32, #tpu.memory_space<vmem>>
    %dma_wait3A_392 = tpu.memref_squeeze %dma_wait3A_391 : memref<1x128x64xf32, #tpu.memory_space<vmem>> -> memref<128x64xf32, #tpu.memory_space<vmem>>
    tpu.wait_dma2 semaphore(%arg8 : memref<!tpu.dma_semaphore, #tpu.memory_space<semaphore_mem>>) src(%dma_wait3A_392 : memref<128x64xf32, #tpu.memory_space<vmem>>) dst(%dma_wait3A_388 : memref<128x64xf32, #tpu.memory_space<hbm>>)
    %add3A_393 = arith.constant 9856 : i32
    %add3A_394 = arith.addi %mul3A_2, %add3A_393 : i32
    %dma_wait3A_395 = arith.constant 5 : i32
    %dma_wait3A_396 = arith.constant 0 : i32
    %dma_wait3A_397 = arith.constant 0 : i32
    %dma_wait3A_398 = tpu.memref_slice %arg6[%dma_wait3A_395, %dma_wait3A_396, %dma_wait3A_397] : memref<8x128x64xf32, #tpu.memory_space<vmem>> -> memref<1x128x64xf32, #tpu.memory_space<vmem>>
    %dma_wait3A_399 = tpu.memref_squeeze %dma_wait3A_398 : memref<1x128x64xf32, #tpu.memory_space<vmem>> -> memref<128x64xf32, #tpu.memory_space<vmem>>
    %dma_wait3A_400 = arith.constant 0 : i32
    %dma_wait3A_401 = tpu.memref_slice %arg4[%add3A_394, %dma_wait3A_400] : memref<327680x64xf32, #tpu.memory_space<hbm>> -> memref<128x64xf32, #tpu.memory_space<hbm>>
    %dma_wait3A_402 = arith.constant 0 : i32
    %dma_wait3A_403 = tpu.memref_slice %arg4[%add3A_394, %dma_wait3A_402] : memref<327680x64xf32, #tpu.memory_space<hbm>> -> memref<128x64xf32, #tpu.memory_space<hbm>>
    %dma_wait3A_404 = arith.constant 0 : i32
    %dma_wait3A_405 = arith.constant 0 : i32
    %dma_wait3A_406 = tpu.memref_slice %arg6[%dma_wait3A_395, %dma_wait3A_404, %dma_wait3A_405] : memref<8x128x64xf32, #tpu.memory_space<vmem>> -> memref<1x128x64xf32, #tpu.memory_space<vmem>>
    %dma_wait3A_407 = tpu.memref_squeeze %dma_wait3A_406 : memref<1x128x64xf32, #tpu.memory_space<vmem>> -> memref<128x64xf32, #tpu.memory_space<vmem>>
    tpu.wait_dma2 semaphore(%arg8 : memref<!tpu.dma_semaphore, #tpu.memory_space<semaphore_mem>>) src(%dma_wait3A_407 : memref<128x64xf32, #tpu.memory_space<vmem>>) dst(%dma_wait3A_403 : memref<128x64xf32, #tpu.memory_space<hbm>>)
    %add3A_408 = arith.constant 9984 : i32
    %add3A_409 = arith.addi %mul3A_2, %add3A_408 : i32
    %dma_wait3A_410 = arith.constant 6 : i32
    %dma_wait3A_411 = arith.constant 0 : i32
    %dma_wait3A_412 = arith.constant 0 : i32
    %dma_wait3A_413 = tpu.memref_slice %arg6[%dma_wait3A_410, %dma_wait3A_411, %dma_wait3A_412] : memref<8x128x64xf32, #tpu.memory_space<vmem>> -> memref<1x128x64xf32, #tpu.memory_space<vmem>>
    %dma_wait3A_414 = tpu.memref_squeeze %dma_wait3A_413 : memref<1x128x64xf32, #tpu.memory_space<vmem>> -> memref<128x64xf32, #tpu.memory_space<vmem>>
    %dma_wait3A_415 = arith.constant 0 : i32
    %dma_wait3A_416 = tpu.memref_slice %arg4[%add3A_409, %dma_wait3A_415] : memref<327680x64xf32, #tpu.memory_space<hbm>> -> memref<128x64xf32, #tpu.memory_space<hbm>>
    %dma_wait3A_417 = arith.constant 0 : i32
    %dma_wait3A_418 = tpu.memref_slice %arg4[%add3A_409, %dma_wait3A_417] : memref<327680x64xf32, #tpu.memory_space<hbm>> -> memref<128x64xf32, #tpu.memory_space<hbm>>
    %dma_wait3A_419 = arith.constant 0 : i32
    %dma_wait3A_420 = arith.constant 0 : i32
    %dma_wait3A_421 = tpu.memref_slice %arg6[%dma_wait3A_410, %dma_wait3A_419, %dma_wait3A_420] : memref<8x128x64xf32, #tpu.memory_space<vmem>> -> memref<1x128x64xf32, #tpu.memory_space<vmem>>
    %dma_wait3A_422 = tpu.memref_squeeze %dma_wait3A_421 : memref<1x128x64xf32, #tpu.memory_space<vmem>> -> memref<128x64xf32, #tpu.memory_space<vmem>>
    tpu.wait_dma2 semaphore(%arg8 : memref<!tpu.dma_semaphore, #tpu.memory_space<semaphore_mem>>) src(%dma_wait3A_422 : memref<128x64xf32, #tpu.memory_space<vmem>>) dst(%dma_wait3A_418 : memref<128x64xf32, #tpu.memory_space<hbm>>)
    %add3A_423 = arith.constant 10112 : i32
    %add3A_424 = arith.addi %mul3A_2, %add3A_423 : i32
    %dma_wait3A_425 = arith.constant 7 : i32
    %dma_wait3A_426 = arith.constant 0 : i32
    %dma_wait3A_427 = arith.constant 0 : i32
    %dma_wait3A_428 = tpu.memref_slice %arg6[%dma_wait3A_425, %dma_wait3A_426, %dma_wait3A_427] : memref<8x128x64xf32, #tpu.memory_space<vmem>> -> memref<1x128x64xf32, #tpu.memory_space<vmem>>
    %dma_wait3A_429 = tpu.memref_squeeze %dma_wait3A_428 : memref<1x128x64xf32, #tpu.memory_space<vmem>> -> memref<128x64xf32, #tpu.memory_space<vmem>>
    %dma_wait3A_430 = arith.constant 0 : i32
    %dma_wait3A_431 = tpu.memref_slice %arg4[%add3A_424, %dma_wait3A_430] : memref<327680x64xf32, #tpu.memory_space<hbm>> -> memref<128x64xf32, #tpu.memory_space<hbm>>
    %dma_wait3A_432 = arith.constant 0 : i32
    %dma_wait3A_433 = tpu.memref_slice %arg4[%add3A_424, %dma_wait3A_432] : memref<327680x64xf32, #tpu.memory_space<hbm>> -> memref<128x64xf32, #tpu.memory_space<hbm>>
    %dma_wait3A_434 = arith.constant 0 : i32
    %dma_wait3A_435 = arith.constant 0 : i32
    %dma_wait3A_436 = tpu.memref_slice %arg6[%dma_wait3A_425, %dma_wait3A_434, %dma_wait3A_435] : memref<8x128x64xf32, #tpu.memory_space<vmem>> -> memref<1x128x64xf32, #tpu.memory_space<vmem>>
    %dma_wait3A_437 = tpu.memref_squeeze %dma_wait3A_436 : memref<1x128x64xf32, #tpu.memory_space<vmem>> -> memref<128x64xf32, #tpu.memory_space<vmem>>
    tpu.wait_dma2 semaphore(%arg8 : memref<!tpu.dma_semaphore, #tpu.memory_space<semaphore_mem>>) src(%dma_wait3A_437 : memref<128x64xf32, #tpu.memory_space<vmem>>) dst(%dma_wait3A_433 : memref<128x64xf32, #tpu.memory_space<hbm>>)
    return
  }
}

</mosaic_0001>

<sc_bundles>
// kernel: kernel.3.cloned.1.call-start
scs
__scs_entry_jumppad:
0x0: {  	(pc) =	sbr.rel $0x88, $3  }
0x1: {  	(tag) =	ssettag $0x0;
	lr =	simm.s32 $0x1  }
0x2: {  	[smem:$0x3F9F] =	sst lr;
	_ =	strace $0xD0000000  }
0x3: {  	_ = 	snop  }
0x4: {  	_ = 	snop  }
0x5: {  	_ = 	snop  }
0x6: {  	_ = 	snop  }
0x7: {  	_ = 	snop  }
__scs_overlays_trampoline_lowered:
0x8: {  	[smem:$0x3FAE] =	sst s0  }
0x9: {  	[smem:$0x3FAF] =	sst s1  }
0xa: {  	[smem:$0x3FB0] =	sst s2  }
0xb: {  	[smem:$0x3FB1] =	sst s3  }
0xc: {  	[smem:$0x3FB2] =	sst s4  }
0xd: {  	[smem:$0x3FB3] =	sst s5  }
0xe: {  	[smem:$0x3FB4] =	sst s6  }
0xf: {  	[smem:$0x3FB5] =	sst s7  }
0x10: {  	[smem:$0x3FB6] =	sst s8  }
0x11: {  	[smem:$0x3FB7] =	sst s9;
	s0 =	simm.s32 @!p0 $0x0  }
0x12: {  	s1 =	sld [smem:$0x3F9D];
	s0 =	simm.s32 @p0 $0x1  }
0x13: {  	[smem:$0x3FB8] =	sst s0;
	s0 =	simm.s32 @!p1 $0x0  }
0x14: {  	s2 =	sld [smem:$0x3F9C];
	s0 =	simm.s32 @p1 $0x1  }
0x15: {  	[smem:$0x3FB9] =	sst s0;
	s0 =	simm.s32 @!p2 $0x0  }
0x16: {  	s3 =	sld [smem:$0x3FDB];
	s0 =	simm.s32 @p2 $0x1  }
0x17: {  	s4 =	simm.s32 $0x1BF5;
	[smem:$0x3FBB] =	sst s0  }
0x18: {  	s0 =	sld [smem:$0x3F9E];
	_ =	swait.ge [sflag:s4], $0x0  }
0x19: {  	s7 =	sld [smem:$0x3F9F]  }
0x1a: {  	s8 =	sadd.s32 $0xFFFFE003, lr  }
0x1b: {  	s9 =	sadd.s32 $0xFFFFFEF7, lr;
	s5 =	simm.s32 $0xFFFFFFFF;
	p2 =	slt.u32 s8, $0xFFFFF086  }
0x1c: {  	p1 =	slt.u32 s9, $0xF7A;
	s5 =	simm.s32 @!p2 $0x0  }
0x1d: {  	s5 =	simm.s32 @p1 $0x1;
	p0 =	seq.s32 s7, s2  }
0x1e: {  	s7 =	smul.u32 @!p0 $0xF7A, s2;
	p2 =	seq.s32 @!p0 s5, $0x0  }
0x1f: {  	s9 =	smul.u32 $0xF7A, s1;
	s8 =	simm.s32 @!p0 $0x1BF5;
	p2 =	por !p2, p0  }
0x20: {  	[sflag:s8] =	ssyncset.s32 @!p0 $0xFFFFF086;
	s6 =	sadd.s32 @!p0 s3, s7;
	s7 =	simm.s32 @!p0 $0x108  }
0x21: {  	s3 =	sadd.s32 s3, s9;
	s6 =	sadd.s32 @!p0 $0x88, s6;
	s7 =	simm.s32 @p2 $0x1082  }
0x22: {  	[simem:s7], [sflag:s8] =	dma.local @!p0 [hbm:s6], $0xF7A  }
0x23: {  	s9 =	sor.u32 $0xD0000000, s2;
	s6 =	simm.s32 $0x108;
	_ =	swait.ge @!p0 [sflag:s8], $0x0  }
0x24: {  	s3 =	sadd.s32 $0x88, s3;
	s6 =	simm.s32 @!p1 $0x1082;
	[sflag:s4] =	ssyncset.s32 $0xFFFFF086  }
0x25: {  	[simem:s6], [sflag:s4] =	dma.local [hbm:s3], $0xF7A  }
0x26: {  	[smem:$0x3F9F] =	sst s1;
	(tag) =	ssettag s2;
	_ =	strace s9  }
0x27: {  	s1 =	sld [smem:$0x3FAF]  }
0x28: {  	s2 =	sld [smem:$0x3FB0]  }
0x29: {  	s4 =	sld [smem:$0x3FB2]  }
0x2a: {  	p0 =	seq.s32 s5, $0x0;
	s5 =	sld [smem:$0x3FB3]  }
0x2b: {  	s6 =	sld [smem:$0x3FB4]  }
0x2c: {  	s7 =	sld [smem:$0x3FB5]  }
0x2d: {  	s3 =	simm.s32 $0x108;
	s8 =	sld [smem:$0x3FB6]  }
0x2e: {  	s3 =	simm.s32 @!p0 $0x1082;
	s9 =	sld [smem:$0x3FB7]  }
0x2f: {  	lr =	sadd.s32 s0, s3;
	s0 =	sld [smem:$0x3FAE]  }
0x30: {  	s3 =	sld [smem:$0x3FB1]  }
0x31: {  	[smem:$0x3FBA] =	sst s10  }
0x32: {  	s10 =	sld [smem:$0x3FB8];
	_ =	sdelay $0x3  }
0x33: {  	p0 =	seq.s32 s10, $0x1;
	s10 =	sld [smem:$0x3FBA];
	_ =	sdelay $0x3  }
0x34: {  	[smem:$0x3FBA] =	sst s10  }
0x35: {  	s10 =	sld [smem:$0x3FB9];
	_ =	sdelay $0x3  }
0x36: {  	p1 =	seq.s32 s10, $0x1;
	s10 =	sld [smem:$0x3FBA];
	_ =	sdelay $0x3  }
0x37: {  	[smem:$0x3FBA] =	sst s10  }
0x38: {  	s10 =	sld [smem:$0x3FBB]  }
0x39: {  	_ = 	snop;
	(pc) =	sbr.ind lr, $3  }
0x3a: {  	_ = 	snop  }
0x3b: {  	_ = 	snop  }
0x3c: {  	p2 =	seq.s32 s10, $0x1;
	s10 =	sld [smem:$0x3FBA]  }
0x3d: {  	_ =	shalt  }
0x3e: {  	_ =	shalt  }
0x3f: {  	_ =	shalt  }
0x40: {  	_ =	shalt  }
0x41: {  	_ =	shalt  }
0x42: {  	_ =	shalt  }
0x43: {  	_ =	shalt  }
0x44: {  	_ =	shalt  }
0x45: {  	_ =	shalt  }
0x46: {  	_ =	shalt  }
0x47: {  	_ =	shalt  }
0x48: {  	_ =	shalt  }
0x49: {  	_ =	shalt  }
0x4a: {  	_ =	shalt  }
0x4b: {  	_ =	shalt  }
0x4c: {  	_ =	shalt  }
0x4d: {  	_ =	shalt  }
0x4e: {  	_ =	shalt  }
0x4f: {  	_ =	shalt  }
0x50: {  	_ =	shalt  }
0x51: {  	_ =	shalt  }
0x52: {  	_ =	shalt  }
0x53: {  	_ =	shalt  }
0x54: {  	_ =	shalt  }
0x55: {  	_ =	shalt  }
0x56: {  	_ =	shalt  }
0x57: {  	_ =	shalt  }
0x58: {  	_ =	shalt  }
0x59: {  	_ =	shalt  }
0x5a: {  	_ =	shalt  }
0x5b: {  	_ =	shalt  }
0x5c: {  	_ =	shalt  }
0x5d: {  	_ =	shalt  }
0x5e: {  	_ =	shalt  }
0x5f: {  	_ =	shalt  }
0x60: {  	_ =	shalt  }
0x61: {  	_ =	shalt  }
0x62: {  	_ =	shalt  }
0x63: {  	_ =	shalt  }
0x64: {  	_ =	shalt  }
0x65: {  	_ =	shalt  }
0x66: {  	_ =	shalt  }
0x67: {  	_ =	shalt  }
0x68: {  	_ =	shalt  }
0x69: {  	_ =	shalt  }
0x6a: {  	_ =	shalt  }
0x6b: {  	_ =	shalt  }
0x6c: {  	_ =	shalt  }
0x6d: {  	_ =	shalt  }
0x6e: {  	_ =	shalt  }
0x6f: {  	_ =	shalt  }
0x70: {  	_ =	shalt  }
0x71: {  	_ =	shalt  }
0x72: {  	_ =	shalt  }
0x73: {  	_ =	shalt  }
0x74: {  	_ =	shalt  }
0x75: {  	_ =	shalt  }
0x76: {  	_ =	shalt  }
0x77: {  	_ =	shalt  }
0x78: {  	_ =	shalt  }
0x79: {  	_ =	shalt  }
0x7a: {  	_ =	shalt  }
0x7b: {  	_ =	shalt  }
0x7c: {  	_ =	shalt  }
0x7d: {  	_ =	shalt  }
0x7e: {  	_ =	shalt  }
0x7f: {  	_ =	shalt  }
0x80: {  	_ =	shalt  }
0x81: {  	_ =	shalt  }
0x82: {  	_ =	shalt  }
0x83: {  	_ =	shalt  }
0x84: {  	_ =	shalt  }
0x85: {  	_ =	shalt  }
0x86: {  	_ =	shalt  }
0x87: {  	_ =	shalt  }
.Lfunc_end0:
.L_simem_size_0:
called_computation.1_lowered:
.L_overlay_start_0:
0x88: {  	s2 =	sld [smem:$0x3FD9]  }
0x89: {  	s3 =	sld [smem:$0x3FFE];
	_ =	sdelay $0x1  }
0x8a: {  	s1 =	srdreg.scid  }
0x8b: {  	s0 =	sand.u32 $0x1, s1  }
0x8c: {  	s17 =	sshll.u32 s0, $0xA;
	s2 =	sadd.s32 s3, s2  }
0x8d: {  	s2 =	sadd.s32 s2, s17  }
0x8e: {  	[smem:$0x3FC6] =	sst s2  }
0x8f: {  	_ = 	snop  }
0x90: {  	s2 =	sld [smem:$0x3FD0];
	(tm) =	ssettm $0x1  }
0x91: {  	s18 =	sld [smem:$0x3FFB];
	_ =	sdelay $0x3  }
0x92: {  	_ =	strace s18  }
0x93: {  	s3 =	sld [smem:$0x3FFC];
	_ =	sdelay $0x3  }
0x94: {  	_ =	strace s3  }
0x95: {  	s3 =	sld [smem:$0x3FFD];
	_ =	sdelay $0x3  }
0x96: {  	_ =	strace s3  }
0x97: {  	_ =	strace $0x8FFFFFFF  }
0x98: {  	s19 =	sld [smem:$0x3FDB];
	_ =	sdelay $0x1  }
0x99: {  	s4 =	simm.s32 $_scs_section_size  }
0x9a: {  	s5 =	simm.s32 $_size__tile_overlayer_lowered;
	s6 =	simm.s32 $_tile_overlayer_lowered  }
0x9b: {  	s22 =	simm.s32 $0x1BFF;
	s21 =	sshll.u32 s6, $0x1;
	s3 =	sadd.s32 s4, s19  }
0x9c: {  	s7 =	simm.s32 $0x0;
	s20 =	sshll.u32 s5, $0x1;
	s5 =	sadd.s32 s21, s3  }
0x9d: {  	[timem:s7], [sflag:s22] =	dma.local [hbm:s5], s20  }
0x9e: {  	_ =	swait.ge [sflag:s22], s20  }
0x9f: {  	s4 =	ssub.s32 $0x0, s20;
	[sflag:s22] =	ssyncset.done $0x0  }
0xa0: {  	[sflag:s22] =	ssyncadd.s32 s4;
	_ =	sdelay $0x1  }
0xa1: {  	s23 =	simm.s32 $0x1B8B  }
0xa2: {  	_ =	swait.ge [sflag:s23], $0x1  }
0xa3: {  	[sflag:s23] =	ssyncset.done $0x0  }
0xa4: {  	s25 =	simm.s32 $0x1B8E;
	s24 =	sld [smem:$0x3FFE];
	[sflag:s23] =	ssyncadd.s32 $0xFFFFFFFF  }
0xa5: {  	s26 =	simm.s32 $execute0_lowered;
	[smem:$0x3FD2] =	sst s25  }
0xa6: {  	s5 =	sshll.u32 s26, $0x1;
	_ =	strace $0x80000046;
	[dreg:$0x1] =	wrdreg $0xFFFFFFFF  }
0xa7: {  	s28 =	simm.s32 $_size_execute0_lowered;
	s3 =	sadd.s32 s3, s5;
	[dreg:$0x0] =	wrdreg $0x0  }
0xa8: {  	s5 =	sshll.u32 s28, $0x1;
	[dreg:$0x2] =	wrdreg s3  }
0xa9: {  	[dreg:$0x3] =	wrdreg s5  }
0xaa: {  	[dreg:$0x4] =	wrdreg $0xC0  }
0xab: {  	_ =	task [dreg:s7], $0x5FFFF  }
0xac: {  	[dreg:$0x1] =	wrdreg $0xFFFFFFFF  }
0xad: {  	[dreg:$0x0] =	wrdreg $0x60  }
0xae: {  	[dreg:$0x2] =	wrdreg s24  }
0xaf: {  	[dreg:$0x3] =	wrdreg s2  }
0xb0: {  	[dreg:$0x4] =	wrdreg $0x9  }
0xb1: {  	_ =	task.clear_ibuf [dreg:s7], $0x5FFFF;
	_ =	strace $0x90000046  }
0xb2: {  	s29 =	simm.s32 $0x9;
	_ =	strace $0x80000048  }
0xb3: {  	_ =	swait.ge [sflag:s29], $0x1  }
0xb4: {  	[sflag:s29] =	ssyncadd.s32 $0xFFFFFFFF  }
0xb5: {  	_ =	strace $0x90000048  }
0xb6: {  	_ =	sfence  }
0xb7: {  	s30 =	sld [smem:$0x0];
	_ =	sdelay $0x2  }
0xb8: {  	s31 =	sshll.u32 s1, $0xD;
	s1 =	sshrl.u32 s1, $0x2  }
0xb9: {  	s3 =	sand.u32 $0x4000, s31;
	s1 =	sadd.s32 s1, s30  }
0xba: {  	s0 =	sor.u32 s3, s0;
	s1 =	sshll.u32 s1, $0x11  }
0xbb: {  	s0 =	sor.u32 s1, s0  }
0xbc: {  	s0 =	sadd.s32 $0x8F2B, s0  }
0xbd: {  	[sflag:s0] =	ssyncadd.remote.s32 $0x1  }
0xbe: {  	_ =	sfence.sel $0xFFFF  }
0xbf: {  	[dreg:$0x0] =	wrdreg $0xFFFFFFFF;
	(pc) =	sbr.abs _section_cstart, $3  }
0xc0: {  	[dreg:$0x1] =	wrdreg $0xFFFFFFFF  }
0xc1: {  	_ =	task.clear_ibuf [dreg:s7], $0x2FFFF;
	_ =	strace $0x9FFFFFFF  }
0xc2: {  	(tm) =	ssettm $0x7FFFFFFF  }
0xc3: {  	_ =	shalt  }
tec
execute0_lowered:
.L_overlay_start_1:
0x0: {  	(tag) =	ssettag $0x1  }
0x1: {  	s0 =	rddreg [dreg:$0x0];
	s1 =	srdreg.scid  }
0x2: {  	s10 =	stileid.u32;
	s4 =	rddreg [dreg:$0x1];
	s2 =	simm.s32 $0x0  }
0x3: {  	s15 =	simm.s32 $0x3;
	s16 =	simm.s32 $0x80;
	s17 =	simm.s32 $0x2800  }
0x4: {  	s18 =	simm.s32 $0x4800;
	s20 =	simm.s32 $0x6800;
	s22 =	simm.s32 $0x8800  }
0x5: {  	s23 =	simm.s32 $0x1;
	s28 =	simm.s32 $0xC800;
	s30 =	simm.s32 $0xE800  }
0x6: {  	s1 =	sand.u32 $0x1, s1;
	s3 =	sshll.u32 s10, $0x1;
	s26 =	smul.u32 $0x140000, s10  }
0x7: {  	s3 =	sor.u32 s1, s3;
	s6 =	ssub.s32 $0x2, s1;
	s1 =	smul.u32 $0xA0000, s1  }
0x8: {  	s19 =	simm.s32 $0x0;
	[smem:$0x7FF] =	sst s2;
	s5 =	smul.u32 $0x500, s3  }
0x9: {  	_ =	strace $0x80000047;
	s8 =	sshrl.u32 s6, $0x1;
	s9 =	smul.u32 $0xA0000, s3  }
0xa: {  	s7 =	smul.u32 $0x14000, s3;
	s3 =	sadd.s32 $0xF42E00, s0;
	s25 =	ssub.s32 s6, s8  }
0xb: {  	s1 =	sadd.s32 s1, s26;
	s5 =	sadd.s32 s5, s0;
	s9 =	sshrl.u32 s9, $0x3  }
0xc: {  	s1 =	sor.u32 $0x8000, s1;
	s13 =	smax.u32 s25, $0x1;
	s25 =	simm.s32 $0xA800  }
0xd: {  	s0 =	simm.s32 $0x2;
	s5 =	sadd.s32 $0xA00, s5;
	s12 =	sadd.s32 s4, s9  }
0xe: {  	s1 =	sshrl.u32 s1, $0x3;
	[dreg:$0x3] =	wrdreg s5;
	s5 =	sadd.s32 s4, s7  }
0xf: {  	s9 =	sadd.s32 $0x13000, s12;
	s10 =	sadd.s32 $0x13400, s12;
	s7 =	sadd.s32 $0x400, s5  }
0x10: {  	s11 =	sadd.s32 $0x13800, s12;
	s29 =	sadd.s32 $0x800, s5;
	[dreg:$0x4] =	wrdreg s7  }
0x11: {  	s12 =	sadd.s32 $0x13C00, s12;
	s31 =	sadd.s32 $0xC00, s5;
	[dreg:$0x5] =	wrdreg s29  }
0x12: {  	s14 =	sadd.s32 s1, s4;
	s1 =	simm.s32 $0x10800;
	[dreg:$0x6] =	wrdreg s31  }
.LBB2_1:
0x13: {  	s4 =	rddreg [dreg:$0x3]  }
0x14: {  	[tilespmem:s2], [sflag:$0x3] =	stream.linear.gather [hbm4b:s4+s2], $0x2800, $0x38;
	[tilespmem:$0x12800] =	vst v63  }
0x15: {  	_ =	swait.ge [sflag:s15], $0x2800  }
0x16: {  	[sflag:s15] =	ssyncset.done $0x0  }
0x17: {  	[sflag:s15] =	ssyncadd.s32 $0xFFFFD800  }
0x18: {  	[tilespmem:s17], [sflag:$0x1] =	stream.indirect.gather [hbm4b:s3+s16], $0x40, s2, s16, $0xb8;
	[tilespmem:$0x12800] =	vst v63  }
0x19: {  	_ = 	snop  }
0x1a: {  	[tilespmem:s18], [sflag:$0x1] =	stream.indirect.gather [hbm4b:s3+s16], $0x40, s16, s16, $0xb8;
	[tilespmem:$0x12800] =	vst v63  }
0x1b: {  	s7 =	simm.s32 $0x100  }
0x1c: {  	[tilespmem:s20], [sflag:$0x1] =	stream.indirect.gather [hbm4b:s3+s16], $0x40, s7, s16, $0xb8;
	[tilespmem:$0x12800] =	vst v63  }
0x1d: {  	s8 =	simm.s32 $0x180  }
0x1e: {  	[tilespmem:s22], [sflag:$0x1] =	stream.indirect.gather [hbm4b:s3+s16], $0x40, s8, s16, $0xb8;
	[tilespmem:$0x12800] =	vst v63  }
0x1f: {  	_ =	swait.ge [sflag:s23], $0x2000  }
0x20: {  	[sflag:s23] =	ssyncset.done $0x0  }
0x21: {  	[sflag:s23] =	ssyncadd.s32 $0xFFFFE000  }
0x22: {  	[hbm4b:s5+s2] =	stream.linear.scatter [tilespmem:s17], [sflag:$0x2], $0x2000, $0x38;
	[tilespmem:$0x12800] =	vst v63  }
0x23: {  	s21 =	simm.s32 $0x200  }
0x24: {  	[tilespmem:s25], [sflag:$0x1] =	stream.indirect.gather [hbm4b:s3+s16], $0x40, s21, s16, $0xb8;
	[tilespmem:$0x12800] =	vst v63  }
0x25: {  	_ =	swait.ge [sflag:s23], $0x2000  }
0x26: {  	[sflag:s23] =	ssyncset.done $0x0  }
0x27: {  	s24 =	rddreg [dreg:$0x4];
	[sflag:s23] =	ssyncadd.s32 $0xFFFFE000  }
0x28: {  	[hbm4b:s24+s2] =	stream.linear.scatter [tilespmem:s18], [sflag:$0x2], $0x2000, $0x38;
	[tilespmem:$0x12800] =	vst v63  }
0x29: {  	s26 =	simm.s32 $0x280  }
0x2a: {  	[tilespmem:s28], [sflag:$0x1] =	stream.indirect.gather [hbm4b:s3+s16], $0x40, s26, s16, $0xb8;
	[tilespmem:$0x12800] =	vst v63  }
0x2b: {  	_ =	swait.ge [sflag:s23], $0x2000  }
0x2c: {  	[sflag:s23] =	ssyncset.done $0x0  }
0x2d: {  	s6 =	rddreg [dreg:$0x5];
	[sflag:s23] =	ssyncadd.s32 $0xFFFFE000  }
0x2e: {  	[hbm4b:s6+s2] =	stream.linear.scatter [tilespmem:s20], [sflag:$0x2], $0x2000, $0x38;
	[tilespmem:$0x12800] =	vst v63  }
0x2f: {  	s7 =	simm.s32 $0x300  }
0x30: {  	[tilespmem:s30], [sflag:$0x1] =	stream.indirect.gather [hbm4b:s3+s16], $0x40, s7, s16, $0xb8;
	[tilespmem:$0x12800] =	vst v63  }
0x31: {  	_ =	swait.ge [sflag:s23], $0x2000  }
0x32: {  	[sflag:s23] =	ssyncset.done $0x0  }
0x33: {  	s8 =	rddreg [dreg:$0x6];
	[sflag:s23] =	ssyncadd.s32 $0xFFFFE000  }
0x34: {  	[hbm4b:s8+s2] =	stream.linear.scatter [tilespmem:s22], [sflag:$0x2], $0x2000, $0x38;
	[tilespmem:$0x12800] =	vst v63  }
0x35: {  	s29 =	simm.s32 $0x28000;
	s21 =	simm.s32 $0x380;
	s24 =	simm.s32 $0x20000  }
0x36: {  	[tilespmem:s1], [sflag:$0x1] =	stream.indirect.gather [hbm4b:s3+s16], $0x40, s21, s16, $0xb8;
	[tilespmem:$0x12800] =	vst v63  }
0x37: {  	s31 =	sadd.s32 $0x400, s14;
	s4 =	sand.u32 $0x38000, s24;
	_ =	swait.ge [sflag:s23], $0x2000  }
0x38: {  	s4 =	sshrl.u32 s4, $0x2;
	s6 =	simm.s32 $0x40000;
	[sflag:s23] =	ssyncset.done $0x0  }
0x39: {  	s4 =	sadd.s32 $0x2800, s4;
	s6 =	sand.u32 $0x38000, s6;
	[sflag:s23] =	ssyncadd.s32 $0xFFFFE000  }
0x3a: {  	[hbm4b:s14+s2] =	stream.linear.scatter [tilespmem:s4], [sflag:$0x2], $0x2000, $0x38;
	[tilespmem:$0x12800] =	vst v63  }
0x3b: {  	s24 =	simm.s32 $0x480;
	s6 =	sshrl.u32 s6, $0x2;
	_ =	swait.ge [sflag:s0], $0x2000  }
0x3c: {  	s26 =	simm.s32 $0x400;
	s6 =	sadd.s32 $0x2800, s6;
	[sflag:s0] =	ssyncset.done $0x0  }
0x3d: {  	s21 =	simm.s32 $0x48000;
	s4 =	simm.s32 $0x50000;
	[sflag:s0] =	ssyncadd.s32 $0xFFFFE000  }
.LBB2_2:
0x3e: {  	[tilespmem:s6], [sflag:$0x1] =	stream.indirect.gather [hbm4b:s3+s16], $0x40, s26, s16, $0xb8;
	[tilespmem:$0x12800] =	vst v63  }
0x3f: {  	s6 =	smov.u32 s21;
	s21 =	smov.u32 s4  }
0x40: {  	s26 =	smov.u32 s24;
	s7 =	sand.u32 $0x38000, s29;
	s29 =	sadd.s32 $0xFFFE0000, s4  }
0x41: {  	s8 =	sadd.s32 $0x8000, s4;
	p0 =	sne.s32 s4, $0x278000;
	_ =	swait.ge [sflag:s23], $0x2000  }
0x42: {  	s7 =	sshrl.u32 s7, $0x2;
	s4 =	sand.u32 $0x38000, s6;
	[sflag:s23] =	ssyncset.done $0x0  }
.Ltmp0:
0x43: {  	s7 =	sadd.s32 $0x2800, s7;
	[sflag:s23] =	ssyncadd.s32 $0xFFFFE000;
	(pc) =	sbr.rel @p0 .LBB2_2-.Ltmp0, $4  }
0x44: {  	[hbm4b:s31+s2] =	stream.linear.scatter [tilespmem:s7], [sflag:$0x2], $0x2000, $0x38;
	[tilespmem:$0x12800] =	vst v63  }
0x45: {  	s4 =	sshrl.u32 s4, $0x2;
	_ =	swait.ge [sflag:s0], $0x2000  }
0x46: {  	s24 =	sadd.s32 $0x80, s24;
	s6 =	sadd.s32 $0x2800, s4;
	[sflag:s0] =	ssyncset.done $0x0  }
0x47: {  	s4 =	smov.u32 s8;
	s31 =	sadd.s32 $0x400, s31;
	[sflag:s0] =	ssyncadd.s32 $0xFFFFE000  }
0x48: {  	[tilespmem:s6], [sflag:$0x1] =	stream.indirect.gather [hbm4b:s3+s16], $0x40, s26, s16, $0xb8;
	[tilespmem:$0x12800] =	vst v63  }
0x49: {  	s4 =	sand.u32 $0x38000, s29;
	_ =	swait.ge [sflag:s23], $0x2000  }
0x4a: {  	s4 =	sshrl.u32 s4, $0x2;
	[sflag:s23] =	ssyncset.done $0x0  }
0x4b: {  	s4 =	sadd.s32 $0x2800, s4;
	[sflag:s23] =	ssyncadd.s32 $0xFFFFE000  }
0x4c: {  	[hbm4b:s31+s2] =	stream.linear.scatter [tilespmem:s4], [sflag:$0x2], $0x2000, $0x38;
	[tilespmem:$0x12800] =	vst v63  }
0x4d: {  	s31 =	sand.u32 $0x38000, s21;
	_ =	swait.ge [sflag:s0], $0x2000  }
0x4e: {  	s4 =	sshrl.u32 s31, $0x2;
	[sflag:s0] =	ssyncset.done $0x0  }
0x4f: {  	s4 =	sadd.s32 $0x2800, s4;
	[sflag:s0] =	ssyncadd.s32 $0xFFFFE000  }
0x50: {  	[tilespmem:s4], [sflag:$0x1] =	stream.indirect.gather [hbm4b:s3+s16], $0x40, s24, s16, $0xb8;
	[tilespmem:$0x12800] =	vst v63  }
0x51: {  	_ =	swait.ge [sflag:s23], $0x2000  }
0x52: {  	[sflag:s23] =	ssyncset.done $0x0  }
0x53: {  	[sflag:s23] =	ssyncadd.s32 $0xFFFFE000  }
0x54: {  	[hbm4b:s9+s2] =	stream.linear.scatter [tilespmem:s25], [sflag:$0x2], $0x2000, $0x38;
	[tilespmem:$0x12800] =	vst v63  }
0x55: {  	_ =	swait.ge [sflag:s23], $0x2000  }
0x56: {  	[sflag:s23] =	ssyncset.done $0x0  }
0x57: {  	[sflag:s23] =	ssyncadd.s32 $0xFFFFE000  }
0x58: {  	[hbm4b:s10+s2] =	stream.linear.scatter [tilespmem:s28], [sflag:$0x2], $0x2000, $0x38;
	[tilespmem:$0x12800] =	vst v63  }
0x59: {  	_ =	swait.ge [sflag:s23], $0x2000  }
0x5a: {  	[sflag:s23] =	ssyncset.done $0x0  }
0x5b: {  	[sflag:s23] =	ssyncadd.s32 $0xFFFFE000  }
0x5c: {  	[hbm4b:s11+s2] =	stream.linear.scatter [tilespmem:s30], [sflag:$0x2], $0x2000, $0x38;
	[tilespmem:$0x12800] =	vst v63  }
0x5d: {  	_ =	swait.ge [sflag:s23], $0x2000  }
0x5e: {  	[sflag:s23] =	ssyncset.done $0x0  }
0x5f: {  	[sflag:s23] =	ssyncadd.s32 $0xFFFFE000  }
0x60: {  	[hbm4b:s12+s2] =	stream.linear.scatter [tilespmem:s1], [sflag:$0x2], $0x2000, $0x38;
	[tilespmem:$0x12800] =	vst v63  }
0x61: {  	_ =	swait.ge [sflag:s0], $0x2000  }
0x62: {  	[sflag:s0] =	ssyncset.done $0x0  }
0x63: {  	[sflag:s0] =	ssyncadd.s32 $0xFFFFE000  }
0x64: {  	_ =	swait.ge [sflag:s0], $0x2000  }
0x65: {  	[sflag:s0] =	ssyncset.done $0x0  }
0x66: {  	[sflag:s0] =	ssyncadd.s32 $0xFFFFE000  }
0x67: {  	_ =	swait.ge [sflag:s0], $0x2000  }
0x68: {  	[sflag:s0] =	ssyncset.done $0x0  }
0x69: {  	[sflag:s0] =	ssyncadd.s32 $0xFFFFE000  }
0x6a: {  	_ =	swait.ge [sflag:s0], $0x2000  }
0x6b: {  	[sflag:s0] =	ssyncset.done $0x0  }
0x6c: {  	[sflag:s0] =	ssyncadd.s32 $0xFFFFE000  }
0x6d: {  	_ =	swait.ge [sflag:s0], $0x2000  }
0x6e: {  	[sflag:s0] =	ssyncset.done $0x0  }
0x6f: {  	[sflag:s0] =	ssyncadd.s32 $0xFFFFE000  }
0x70: {  	_ =	swait.ge [sflag:s0], $0x2000  }
0x71: {  	[sflag:s0] =	ssyncset.done $0x0  }
0x72: {  	s19 =	sadd.s32 $0x1, s19;
	[sflag:s0] =	ssyncadd.s32 $0xFFFFE000  }
0x73: {  	p0 =	sne.s32 s19, s13;
	_ =	swait.ge [sflag:s0], $0x2000  }
.Ltmp1:
0x74: {  	[sflag:s0] =	ssyncset.done $0x0;
	(pc) =	sbr.rel @p0 .LBB2_1-.Ltmp1, $4  }
0x75: {  	[sflag:s0] =	ssyncadd.s32 $0xFFFFE000  }
0x76: {  	_ =	swait.ge [sflag:s0], $0x2000  }
0x77: {  	[sflag:s0] =	ssyncset.done $0x0  }
0x78: {  	[sflag:s0] =	ssyncadd.s32 $0xFFFFE000  }
0x79: {  	_ =	sfence.sel $0x180000  }
0x7a: {  	[bflag:$0x0] =	sbarrier.arrive $0xFFFF  }
0x7b: {  	_ =	strace $0x90000047  }
0x7c: {  	s0 =	stileid.u32;
	[bflag:$0x2] =	sbarrier.arrive $0xFFFF  }
0x7d: {  	p0 =	sne.s32 s0, $0x0;
	s0 =	rddreg [dreg:$0x2]  }
0x7e: {  	s0 =	sadd.s32 @!p0 $0x100000, s0  }
0x7f: {  	[sflag:s0] =	ssyncadd.tile.s32 @!p0 $0x1;
	_ =	shalt  }
.Lfunc_end2:
_tile_overlayer_lowered:
.L_overlay_start_2:
0x80: {  	(tag) =	ssettag $0x2  }
0x81: {  	s0 =	rddreg [dreg:$0x0];
	s2 =	stileid.u32  }
0x82: {  	s1 =	rddreg [dreg:$0x1];
	p0 =	sne.s32 s2, $0x0  }
0x83: {  	s3 =	rddreg [dreg:$0x2];
	[bflag:$0x3] =	sbarrier.arrive $0xFFFF;
	s2 =	simm.s32 @!p0 $0x1C03  }
0x84: {  	[timem:s3], [sflag:s2] =	dma.local @!p0 [hbm:s0], s1  }
0x85: {  	s0 =	simm.s32 @!p0 $0x3  }
0x86: {  	_ =	swait.ge @!p0 [sflag:s0], s1  }
0x87: {  	s1 =	ssub.s32 @!p0 $0x0, s1;
	[sflag:s0] =	ssyncset.done @!p0 $0x0  }
0x88: {  	[sflag:s0] =	ssyncadd.s32 @!p0 s1  }
0x89: {  	[bflag:$0x3] =	sbarrier.arrive $0xFFFF  }
0x8a: {  	_ =	shalt  }

// kernel: sparse-core-data-format-call.cloned.1.call-start
scs
called_computation_lowered:
.L_overlay_start_0:
0x0: {  	s2 =	sld [smem:$0x3FD9]  }
0x1: {  	s3 =	sld [smem:$0x3FFE];
	_ =	sdelay $0x1  }
0x2: {  	s1 =	srdreg.scid  }
0x3: {  	s0 =	sand.u32 $0x1, s1  }
0x4: {  	s18 =	sshll.u32 s0, $0xA;
	s2 =	sadd.s32 s3, s2  }
0x5: {  	s2 =	sadd.s32 s2, s18  }
0x6: {  	[smem:$0x3FC6] =	sst s2  }
0x7: {  	_ = 	snop  }
0x8: {  	s2 =	sld [smem:$0x3FD0];
	(tm) =	ssettm $0x1  }
0x9: {  	s19 =	sld [smem:$0x3FFB];
	_ =	sdelay $0x3  }
0xa: {  	_ =	strace s19  }
0xb: {  	s3 =	sld [smem:$0x3FFC];
	_ =	sdelay $0x3  }
0xc: {  	_ =	strace s3  }
0xd: {  	s3 =	sld [smem:$0x3FFD];
	_ =	sdelay $0x3  }
0xe: {  	_ =	strace s3  }
0xf: {  	_ =	strace $0x8FFFFFFF  }
0x10: {  	s20 =	sld [smem:$0x3FDB];
	_ =	sdelay $0x1  }
0x11: {  	s4 =	simm.s32 $_scs_section_size  }
0x12: {  	s5 =	simm.s32 $_size__tile_overlayer_lowered;
	s6 =	simm.s32 $_tile_overlayer_lowered  }
0x13: {  	s23 =	simm.s32 $0x1BFF;
	s22 =	sshll.u32 s6, $0x1;
	s3 =	sadd.s32 s4, s20  }
0x14: {  	s7 =	simm.s32 $0x0;
	s21 =	sshll.u32 s5, $0x1;
	s5 =	sadd.s32 s22, s3  }
0x15: {  	[timem:s7], [sflag:s23] =	dma.local [hbm:s5], s21  }
0x16: {  	_ =	swait.ge [sflag:s23], s21  }
0x17: {  	s4 =	ssub.s32 $0x0, s21;
	[sflag:s23] =	ssyncset.done $0x0  }
0x18: {  	[sflag:s23] =	ssyncadd.s32 s4;
	_ =	sdelay $0x1  }
0x19: {  	s24 =	simm.s32 $0x1B8B  }
0x1a: {  	_ =	swait.ge [sflag:s24], $0x1  }
0x1b: {  	[sflag:s24] =	ssyncset.done $0x0  }
0x1c: {  	s26 =	simm.s32 $0x1B8E;
	s25 =	sld [smem:$0x3FFE];
	[sflag:s24] =	ssyncadd.s32 $0xFFFFFFFF  }
0x1d: {  	s27 =	simm.s32 $execute0_lowered;
	[smem:$0x3FD2] =	sst s26  }
0x1e: {  	s5 =	sshll.u32 s27, $0x1;
	_ =	strace $0x80000049;
	[dreg:$0x1] =	wrdreg $0xFFFFFFFF  }
0x1f: {  	s28 =	simm.s32 $_size_execute0_lowered;
	s3 =	sadd.s32 s3, s5;
	[dreg:$0x0] =	wrdreg $0x0  }
0x20: {  	s5 =	sshll.u32 s28, $0x1;
	[dreg:$0x2] =	wrdreg s3  }
0x21: {  	[dreg:$0x3] =	wrdreg s5  }
0x22: {  	[dreg:$0x4] =	wrdreg $0xC0  }
0x23: {  	_ =	task [dreg:s7], $0x5FFFF  }
0x24: {  	[dreg:$0x1] =	wrdreg $0xFFFFFFFF  }
0x25: {  	[dreg:$0x0] =	wrdreg $0x60  }
0x26: {  	[dreg:$0x2] =	wrdreg s25  }
0x27: {  	[dreg:$0x3] =	wrdreg s2  }
0x28: {  	[dreg:$0x4] =	wrdreg $0x9  }
0x29: {  	_ =	task.clear_ibuf [dreg:s7], $0x5FFFF;
	_ =	strace $0x90000049  }
0x2a: {  	s29 =	simm.s32 $0x9;
	_ =	strace $0x8000004B  }
0x2b: {  	_ =	swait.ge [sflag:s29], $0x1  }
0x2c: {  	[sflag:s29] =	ssyncadd.s32 $0xFFFFFFFF  }
0x2d: {  	_ =	strace $0x9000004B  }
0x2e: {  	_ =	sfence  }
0x2f: {  	s30 =	sld [smem:$0x0];
	_ =	sdelay $0x2  }
0x30: {  	s31 =	sshll.u32 s1, $0xD;
	s1 =	sshrl.u32 s1, $0x2  }
0x31: {  	s3 =	sand.u32 $0x4000, s31;
	s1 =	sadd.s32 s1, s30  }
0x32: {  	s0 =	sor.u32 s3, s0;
	s1 =	sshll.u32 s1, $0x11  }
0x33: {  	s0 =	sor.u32 s1, s0  }
0x34: {  	s0 =	sadd.s32 $0x8F2B, s0  }
0x35: {  	[sflag:s0] =	ssyncadd.remote.s32 $0x1  }
0x36: {  	_ =	sfence.sel $0xFFFF  }
0x37: {  	[dreg:$0x0] =	wrdreg $0xFFFFFFFF;
	(pc) =	sbr.abs _section_cstart, $3  }
0x38: {  	[dreg:$0x1] =	wrdreg $0xFFFFFFFF  }
0x39: {  	_ =	task.clear_ibuf [dreg:s7], $0x2FFFF;
	_ =	strace $0x9FFFFFFF  }
0x3a: {  	(tm) =	ssettm $0x7FFFFFFF  }
0x3b: {  	_ =	shalt  }
tec
execute0_lowered:
.L_overlay_start_1:
0x0: {  	(tag) =	ssettag $0x1  }
0x1: {  	s0 =	srdreg.scid  }
0x2: {  	s1 =	sshll.u32 s0, $0x4  }
0x3: {  	s0 =	stileid.u32;
	s1 =	sand.u32 $0x10, s1  }
0x4: {  	s1 =	sor.u32 s0, s1  }
0x5: {  	s6 =	rddreg [dreg:$0x0];
	s4 =	simm.s32 $0x1;
	s2 =	sshll.u32 s1, $0x7  }
0x6: {  	s7 =	simm.s32 $0x2;
	s12 =	simm.s32 $0x0;
	s1 =	ssub.s32 $0x4000, s2  }
0x7: {  	s8 =	simm.s32 $0x20000;
	s13 =	simm.s32 $0x0;
	s3 =	sand.u32 $0xF80, s1  }
0x8: {  	s9 =	simm.s32 $0x0;
	s5 =	sshrl.u32 s1, $0xC;
	p0 =	sne.s32 s3, $0x0  }
.Ltmp0:
0x9: {  	s1 =	rddreg [dreg:$0x2];
	s4 =	simm.s32 @!p0 $0x0;
	(pc) =	sbr.rel .LBB1_1-.Ltmp0, $4  }
0xa: {  	s11 =	simm.s32 $0x0;
	s3 =	rddreg [dreg:$0x1];
	s5 =	sadd.s32 s4, s5  }
0xb: {  	_ =	strace $0x8000004A;
	s4 =	simm.s32 $0x1;
	s5 =	smul.u32 $0x14, s5  }
0xc: {  	s6 =	sadd.s32 $0xA00, s6;
	s10 =	smov.u32 s2;
	[sflag:s4] =	ssyncpa.u1 $0x0  }
0xd: {  	p0 =	por $0x0, $0x0;
	[sflag:s7] =	ssyncpa.u1 $0x0;
	s7 =	sor.u32 $0x1, s5  }
.LBB1_4:
0xe: {  	s16 =	sshll.u32 s13, $0x3;
	s17 =	sand.u32 $0x78, s13  }
0xf: {  	s30 =	sand.u32 $0x1F800, s13;
	s12 =	sshll.u32 s12, $0x11;
	s16 =	sand.u32 $0x3C00, s16  }
0x10: {  	[tilespmem:s15+$0x810 ss:$0x81] =	vst.msk $0xffff, v2;
	s31 =	sand.u32 $0x7, s13;
	s16 =	sor.u32 s17, s16;
	s17 =	sadd.s32 s3, s30  }
0x11: {  	[tilespmem:s15+$0x1020 ss:$0x81] =	vst.msk $0xffff, v0;
	s13 =	sshll.u32 s31, $0x12;
	s12 =	sadd.s32 s12, s17;
	s16 =	sshrl.u32 s16, $0x3  }
0x12: {  	[tilespmem:s15+$0x0 ss:$0x81] =	vst.msk $0xffff, v1;
	s13 =	sor.u32 $0x400, s13;
	s12 =	sadd.s32 s16, s12  }
0x13: {  	[hbm4b:s12+s13] =	stream.strided.scatter [tilespmem:s14], [sflag:$0x2], $0x2000, s8, s13, $0x20;
	[tilespmem:$0x8080] =	vst v63  }
.LBB1_5:
0x14: {  	s14 =	sadd.s32 $0x1, s9  }
0x15: {  	s12 =	sadd.s32 $0x1000, s10;
	s16 =	smov.u32 s10;
	p2 =	sgt.s32 s14, $0x13  }
0x16: {  	s16 =	smov.u32 @p2 s12  }
0x17: {  	s14 =	simm.s32 @p2 $0x0;
	p2 =	sgt.s32 s16, $0x3FFF  }
0x18: {  	s16 =	smov.u32 @p2 s2;
	p2 =	sne.s32 s11, s7  }
.Ltmp1:
0x19: {  	p1 =	slt.u32 s11, $0x2;
	(pc) =	sbr.rel @!p2 .LBB1_6-.Ltmp1, $4  }
0x1a: {  	s15 =	simm.s32 @!p1 $0x2  }
0x1b: {  	s13 =	smov.u32 s10;
	p0 =	por !p0, !p0;
	_ =	swait.ge @!p1 [sflag:s15], $0x2000  }
0x1c: {  	s12 =	smov.u32 s9;
	[sflag:s15] =	ssyncset.done @!p1 $0x0;
	s9 =	smov.u32 s14  }
0x1d: {  	s11 =	sadd.s32 $0x1, s11;
	[sflag:s15] =	ssyncadd.s32 @!p1 $0xFFFFE000;
	s10 =	smov.u32 s16  }
.LBB1_1:
0x1e: {  	p1 =	sge.u32 s11, s5  }
0x1f: {  	s14 =	sand.u32 @!p1 $0x1FFFFFF, s9  }
0x20: {  	s15 =	smulhi.u32 @!p1 $0xAAAAAAB, s14;
	_ =	sdelay $0x1  }
0x21: {  	s15 =	smul.u32 @!p1 $0x18, s15  }
0x22: {  	s16 =	sxor.u32 @!p1 $0xFFFFFFFF, s11;
	s17 =	smul.u32 @!p1 $0x180, s10  }
0x23: {  	s31 =	sadd.s32 $0xFFFFFFFF, s11;
	s16 =	sshll.u32 @!p1 s16, $0xD;
	s14 =	ssub.s32 @!p1 s14, s15  }
0x24: {  	s15 =	sand.u32 @!p1 $0x2000, s16;
	s16 =	sadd.s32 @!p1 s6, s17;
	s14 =	sshll.u32 @!p1 s14, $0x4  }
0x25: {  	s17 =	simm.s32 @!p1 $0xC00;
	s14 =	sadd.s32 @!p1 s14, s16;
	s16 =	simm.s32 @!p1 $0x40  }
0x26: {  	[tilespmem:s15], [sflag:$0x1] =	stream.strided.gather @!p1 [hbm4b:s14+s16], $0x2000, s17, s16, $0x38;
	[tilespmem:$0x8080] =	vst v63  }
0x27: {  	p1 =	sge.u32 s31, s5  }
.Ltmp2:
0x28: {  	_ = 	snop;
	(pc) =	sbr.rel @p1 .LBB1_5-.Ltmp2, $1  }
0x29: {  	_ =	sdelay $0x3  }
0x2a: {  	s14 =	simm.s32 $0x1  }
0x2b: {  	_ =	swait.ge [sflag:s4], $0x2000;
	s14 =	simm.s32 @!p0 $0x0  }
0x2c: {  	[sflag:s4] =	ssyncset.done $0x0;
	s15 =	sshll.u32 s14, $0xD  }
0x2d: {  	[sflag:s4] =	ssyncadd.s32 $0xFFFFE000;
	s18 =	sor.u32 $0x20, s15  }
0x2e: {  	s14 =	smul.u32 $0x8100, s14;
	v3 =	vld [tilespmem:s18+$0x10]  }
0x2f: {  	s30 =	sand.u32 $0x1, s11;
	v2 =	vld [tilespmem:s18+$0xFFFFFFF0]  }
0x30: {  	s15 =	smul.u32 $0x8100, s30;
	s14 =	sshrl.u32 s14, $0x2;
	v0 =	vld [tilespmem:s18+$0x0]  }
0x31: {  	v1 =	vld [tilespmem:s18+$0xFFFFFFE0];
	s16 =	sor.u32 $0x4000, s14  }
0x32: {  	s31 =	sshrl.u32 s15, $0x2;
	s15 =	sadd.s32 $0x0, s16  }
0x33: {  	s17 =	simm.s32 $0x4;
	s18 =	sadd.s32 $0x40, s18;
	s14 =	sor.u32 $0x4000, s31;
	[tilespmem:s15+$0x1830 ss:$0x81] =	vst.msk $0xffff, v3  }
.LBB1_3:
0x34: {  	v3 =	vld [tilespmem:s18+$0x10];
	p1 =	sne.s32 s17, $0x1FC;
	[tilespmem:s15+$0x810 ss:$0x81] =	vst.msk $0xffff, v2;
	s19 =	smov.u32 s17;
	s17 =	sadd.s32 $0x4, s17  }
.Ltmp3:
0x35: {  	v2 =	vld [tilespmem:s18+$0xFFFFFFF0];
	[tilespmem:s15+$0x1020 ss:$0x81] =	vst.msk $0xffff, v0;
	(pc) =	sbr.rel @p1 .LBB1_3-.Ltmp3, $4  }
0x36: {  	v0 =	vld [tilespmem:s18+$0x0];
	[tilespmem:s15+$0x0 ss:$0x81] =	vst.msk $0xffff, v1  }
0x37: {  	s15 =	sshra.s32 s19, $0x2;
	v1 =	vld [tilespmem:s18+$0xFFFFFFE0]  }
0x38: {  	s15 =	sadd.s32 s15, s16  }
0x39: {  	s18 =	sadd.s32 $0x40, s18;
	[tilespmem:s15+$0x1830 ss:$0x81] =	vst.msk $0xffff, v3  }
.Ltmp4:
0x3a: {  	_ = 	snop;
	(pc) =	sbr.rel .LBB1_4-.Ltmp4, $1  }
0x3b: {  	_ =	sdelay $0x3  }
.LBB1_6:
0x3c: {  	_ =	sfence.sel $0x180000  }
0x3d: {  	s2 =	simm.s32 $0x1;
	[bflag:$0x0] =	sbarrier.arrive $0xFFFF  }
0x3e: {  	s31 =	simm.s32 $0x2;
	[sflag:s2] =	ssyncpa.u1 $0x1  }
0x3f: {  	[sflag:s31] =	ssyncpa.u1 $0x1  }
0x40: {  	p0 =	sne.s32 s0, $0x0;
	_ =	strace $0x9000004A  }
0x41: {  	s0 =	sadd.s32 @!p0 $0x100000, s1;
	[bflag:$0x2] =	sbarrier.arrive $0xFFFF  }
0x42: {  	[sflag:s0] =	ssyncadd.tile.s32 @!p0 $0x1;
	_ =	shalt  }
.Lfunc_end1:
_tile_overlayer_lowered:
.L_overlay_start_2:
0x43: {  	(tag) =	ssettag $0x2  }
0x44: {  	s0 =	rddreg [dreg:$0x0];
	s2 =	stileid.u32  }
0x45: {  	s1 =	rddreg [dreg:$0x1];
	p0 =	sne.s32 s2, $0x0  }
0x46: {  	s3 =	rddreg [dreg:$0x2];
	[bflag:$0x3] =	sbarrier.arrive $0xFFFF;
	s2 =	simm.s32 @!p0 $0x1C01  }
0x47: {  	[timem:s3], [sflag:s2] =	dma.local @!p0 [hbm:s0], s1  }
0x48: {  	s0 =	simm.s32 @!p0 $0x1  }
0x49: {  	_ =	swait.ge @!p0 [sflag:s0], s1  }
0x4a: {  	s1 =	ssub.s32 @!p0 $0x0, s1;
	[sflag:s0] =	ssyncset.done @!p0 $0x0  }
0x4b: {  	[sflag:s0] =	ssyncadd.s32 @!p0 s1  }
0x4c: {  	[bflag:$0x3] =	sbarrier.arrive $0xFFFF  }
0x4d: {  	_ =	shalt  }

</sc_bundles>
